<compile_context>
chip_gen: v7x
topology: tpu7x:2x2x1
jax: 0.10.2.dev20260603
libtpu: 0.0.44.dev20260713+nightly
codegen_flags: <defaults>
</compile_context>

<pallas_src>
import functools

import jax
import jax.numpy as jnp
from jax import lax
from jax.experimental import pallas as pl
from jax.experimental.pallas import tpu as pltpu
from jax.experimental.pallas import tpu_sc as plsc

NC = 2
NS = 16
NW = NC * NS
CHUNK = 128
DEGW = 16


def _row_block(n):
    for blk in (1024, 1000, 512, 500, 256, 250, 128, 8):
        if n % blk == 0:
            return blk
    return n


@functools.lru_cache(maxsize=None)
def _build(N, E, C):
    mesh = plsc.VectorSubcoreMesh(core_axis_name="c", subcore_axis_name="s")

    nck = -(-E // (NW * CHUNK))
    nck += (-nck) % 8
    nblk = nck * NW
    e_pad = nblk * CHUNK
    n_pad = -(-N // (NS * 16)) * NS * 16
    if e_pad > E and n_pad == N:
        n_pad += NS * 16
    rpt = n_pad // NS

    @functools.partial(
        pl.kernel,
        out_type=jax.ShapeDtypeStruct((NC, n_pad, DEGW), jnp.float32),
        mesh=mesh,
        scratch_types=[
            pltpu.VMEM_SHARED((n_pad, DEGW), jnp.float32),
            pltpu.VMEM((4, 2, CHUNK), jnp.int32),
            pltpu.VMEM((CHUNK, DEGW), jnp.float32),
            pltpu.VMEM((CHUNK, DEGW), jnp.float32),
        ],
    )
    def deg_kernel(ei_hbm, out_hbm, acc, idx_v, ones_v, zbuf):
        cid = lax.axis_index("c")
        sid = lax.axis_index("s")
        wid = cid * NS + sid
        base_row = sid * rpt

        @pl.loop(0, CHUNK)
        def _(r):
            zbuf[r, :] = jnp.zeros((DEGW,), jnp.float32)
            ones_v[r, :] = jnp.ones((DEGW,), jnp.float32)

        @pl.loop(0, rpt, step=CHUNK)
        def _(r):
            pltpu.sync_copy(zbuf, acc.at[pl.ds(base_row + r, CHUNK)])

        plsc.subcore_barrier()

        @pl.loop(0, nck, step=4)
        def _(k):
            pltpu.sync_copy(ei_hbm.at[pl.ds(wid * nck + k, 4)], idx_v)
            for t in range(4):
                pltpu.sync_copy(ones_v, acc.at[idx_v.at[t].at[1]], add=True)

        plsc.subcore_barrier()
        pltpu.sync_copy(
            acc.at[pl.ds(base_row, rpt)],
            out_hbm.at[cid].at[pl.ds(base_row, rpt)],
        )

    @functools.partial(
        pl.kernel,
        out_type=jax.ShapeDtypeStruct((NC, n_pad, C), jnp.float32),
        mesh=mesh,
        scratch_types=[
            pltpu.VMEM_SHARED((n_pad, C), jnp.float32),
            pltpu.VMEM((4, 2, CHUNK), jnp.int32),
            pltpu.VMEM((CHUNK, C), jnp.float32),
        ],
    )
    def scatter_kernel(g_hbm, ei_hbm, out_hbm, acc, idx_v, rows_v):
        cid = lax.axis_index("c")
        sid = lax.axis_index("s")
        wid = cid * NS + sid
        base_row = sid * rpt

        @pl.loop(0, CHUNK)
        def _(r):
            @pl.loop(0, C, step=16)
            def _(j):
                rows_v[r, pl.ds(j, 16)] = jnp.zeros((16,), jnp.float32)

        @pl.loop(0, rpt, step=CHUNK)
        def _(r):
            pltpu.sync_copy(rows_v, acc.at[pl.ds(base_row + r, CHUNK)])

        plsc.subcore_barrier()

        @pl.loop(0, nck, step=4)
        def _(k):
            pltpu.sync_copy(ei_hbm.at[pl.ds(wid * nck + k, 4)], idx_v)
            for t in range(4):
                pltpu.sync_copy(g_hbm.at[idx_v.at[t].at[0]], rows_v)
                pltpu.sync_copy(rows_v, acc.at[idx_v.at[t].at[1]], add=True)

        plsc.subcore_barrier()
        pltpu.sync_copy(
            acc.at[pl.ds(base_row, rpt)],
            out_hbm.at[cid].at[pl.ds(base_row, rpt)],
        )

    blk = _row_block(N)
    grid = (N // blk,)

    def prep_body(x_ref, w_ref, degp_ref, g_ref):
        h = jnp.dot(x_ref[...], w_ref[...],
                    preferred_element_type=jnp.float32,
                    precision=lax.Precision.HIGHEST)
        deg = degp_ref[0, :, 0] + degp_ref[1, :, 0] + 1.0
        g_ref[...] = h * lax.rsqrt(deg)[:, None]

    prep = pl.pallas_call(
        prep_body,
        grid=grid,
        in_specs=[
            pl.BlockSpec((blk, C), lambda i: (i, 0)),
            pl.BlockSpec((C, C), lambda i: (0, 0)),
            pl.BlockSpec((NC, blk, DEGW), lambda i: (0, i, 0)),
        ],
        out_specs=pl.BlockSpec((blk, C), lambda i: (i, 0)),
        out_shape=jax.ShapeDtypeStruct((N, C), jnp.float32),
    )

    def final_body(degp_ref, p_ref, g_ref, b_ref, o_ref):
        deg = degp_ref[0, :, 0] + degp_ref[1, :, 0] + 1.0
        t = p_ref[0] + p_ref[1] + g_ref[...]
        o_ref[...] = t * lax.rsqrt(deg)[:, None] + b_ref[...]

    final = pl.pallas_call(
        final_body,
        grid=grid,
        in_specs=[
            pl.BlockSpec((NC, blk, DEGW), lambda i: (0, i, 0)),
            pl.BlockSpec((NC, blk, C), lambda i: (0, i, 0)),
            pl.BlockSpec((blk, C), lambda i: (i, 0)),
            pl.BlockSpec((1, C), lambda i: (0, 0)),
        ],
        out_specs=pl.BlockSpec((blk, C), lambda i: (i, 0)),
        out_shape=jax.ShapeDtypeStruct((N, C), jnp.float32),
    )

    return nblk, e_pad, deg_kernel, scatter_kernel, prep, final


def kernel(x, edge_index, W, b):
    N, C = x.shape
    E = edge_index.shape[1]
    nblk, e_pad, deg_kernel, scatter_kernel, prep, final = _build(N, E, C)

    src = edge_index[0].astype(jnp.int32)
    dst = edge_index[1].astype(jnp.int32)
    if e_pad > E:
        pad = jnp.arange(e_pad - E, dtype=jnp.int32) % 16
        src = jnp.concatenate([src, pad])
        dst = jnp.concatenate([dst, N + pad])
    ei = jnp.stack([src, dst]).reshape(2, nblk, CHUNK).transpose(1, 0, 2)

    degp = deg_kernel(ei)
    g = prep(x, W, degp)
    parts = scatter_kernel(g, ei)
    return final(degp, parts, g, b.reshape(1, C))

# --- scband reference (transcript-rebuilt; emitter-appended) ---
"""Pipeline reference for scband-general-conv-9723805958216 (READ-ONLY COPY).

The authoritative reference and input builder live on the scoring server;
editing this copy changes nothing except your own understanding.
"""

import jax, jax.numpy as jnp
import numpy as np

N_NODES = 10000
N_EDGES = 320000
IN_CH = 128
OUT_CH = 128


def setup_inputs(seed: int = 0) -> dict:
    key = jax.random.key(seed)
    k_x, k_e, k_w, k_b = jax.random.split(key, 4)
    x = jax.random.normal(k_x, (N_NODES, IN_CH), dtype=jnp.float32)
    edge_index = jax.random.randint(k_e, (2, N_EDGES), 0, N_NODES, dtype=jnp.int64)
    # GCNConv learned parameters: weight [in, out] (glorot-ish) and bias [out]
    W = jax.random.normal(k_w, (IN_CH, OUT_CH), dtype=jnp.float32) * (1.0 / np.sqrt(IN_CH))
    b = jnp.zeros((OUT_CH,), dtype=jnp.float32)
    return {"x": x, "edge_index": edge_index, "W": W, "b": b}


def reference(x, edge_index, W, b):
    # GeneralConv(task='transductive', conv_name='gcn_conv') -> GCNConv(x, edge_index)
    # GCNConv: add self-loops, symmetric normalization D^-1/2 (A+I) D^-1/2 X W + b
    N = x.shape[0]
    src = edge_index[0]
    dst = edge_index[1]
    loop = jnp.arange(N, dtype=edge_index.dtype)
    src = jnp.concatenate([src, loop])
    dst = jnp.concatenate([dst, loop])
    # degree of destination nodes (edge weight = 1)
    deg = jnp.zeros((N,), dtype=x.dtype).at[dst].add(1.0)
    deg_inv_sqrt = jnp.where(deg > 0, jax.lax.rsqrt(deg), 0.0)
    norm = deg_inv_sqrt[src] * deg_inv_sqrt[dst]
    # linear transform then message passing (gather from src, scatter-add to dst)
    h = x @ W
    msg = h[src] * norm[:, None]
    out = jnp.zeros((N, h.shape[1]), dtype=x.dtype).at[dst].add(msg)
    out = out + b
    return out

if __name__ == "__main__":
    import jax
    _d = setup_inputs()
    print(jax.jit(kernel)(*tuple(_d.values())))

</pallas_src>

<mosaic_0001>
#map = affine_map<(d0, d1) -> (0, 0)>
#map1 = affine_map<(d0, d1) -> (0, 0, 0)>
module attributes {stable_mosaic.version = 14 : i64} {
  func.func @scatter_kernel(%arg0: i32, %arg1: i32, %arg2: memref<10000x128xf32, #tpu.memory_space<hbm>>, %arg3: memref<2560x2x128xi32, #tpu.memory_space<hbm>>, %arg4: memref<2x10240x128xf32, #tpu.memory_space<hbm>>, %arg5: memref<10240x128xf32, #tpu.memory_space<vmem_shared>>, %arg6: memref<4x2x128xi32, #tpu.memory_space<vmem>>, %arg7: memref<128x128xf32, #tpu.memory_space<vmem>>) attributes {dimension_semantics = [#tpu.dimension_semantics<core_parallel>, #tpu.dimension_semantics<subcore_parallel>], iteration_bounds = array<i64: 2, 16>, scalar_prefetch = 0 : i64, scratch_operands = 3 : i64, tpu.core_type = #tpu.core_type<sc_vector_subcore>, window_params = [{transform_indices = #map}, {transform_indices = #map1}, {transform_indices = #map1}]} {
    %mul3A = arith.constant 16 : i32
    %mul3A_0 = arith.muli %arg0, %mul3A : i32
    %add3A = arith.addi %mul3A_0, %arg1 : i32
    %mul3A_1 = arith.constant 640 : i32
    %mul3A_2 = arith.muli %arg1, %mul3A_1 : i32
    %scan3A = arith.constant 0 : i32
    %scan3A_3 = arith.constant 128 : i32
    %scan3A_4 = arith.addi %scan3A, %scan3A_3 : i32
    %scan3A_5 = arith.constant 1 : i32
    scf.for %scan3A_18 = %scan3A to %scan3A_4 step %scan3A_5  : i32 {
      %mul3A_19 = arith.constant 1 : i32
      %mul3A_20 = arith.muli %scan3A_18, %mul3A_19 : i32
      %add3A_21 = arith.constant 0 : i32
      %add3A_22 = arith.addi %add3A_21, %mul3A_20 : i32
      %scan3A_23 = arith.constant 0 : i32
      %scan3A_24 = arith.constant 8 : i32
      %scan3A_25 = arith.addi %scan3A_23, %scan3A_24 : i32
      %scan3A_26 = arith.constant 1 : i32
      scf.for %scan3A_28 = %scan3A_23 to %scan3A_25 step %scan3A_26  : i32 {
        %mul3A_29 = arith.constant 16 : i32
        %mul3A_30 = arith.muli %scan3A_28, %mul3A_29 : i32
        %add3A_31 = arith.constant 0 : i32
        %add3A_32 = arith.addi %add3A_31, %mul3A_30 : i32
        %broadcast_in_dim3A = arith.constant 0.000000e+00 : f32
        %broadcast_in_dim3A_33 = vector.broadcast %broadcast_in_dim3A : f32 to vector<16xf32>
        %swap3A = arith.index_cast %add3A_22 : i32 to index
        %swap3A_34 = arith.index_cast %add3A_32 : i32 to index
        %swap3A_35 = tpu.vector_load %arg7[%swap3A, %swap3A_34] {strides = array<i32>} : memref<128x128xf32, #tpu.memory_space<vmem>>, vector<1x16xf32>,
        %swap3A_36 = vector.shape_cast %swap3A_35 : vector<1x16xf32> to vector<16xf32>
        %swap3A_37 = vector.shape_cast %broadcast_in_dim3A_33 : vector<16xf32> to vector<1x16xf32>
        tpu.vector_store %arg7[%swap3A, %swap3A_34], %swap3A_37 {strides = array<i32>} : memref<128x128xf32, #tpu.memory_space<vmem>>, vector<1x16xf32>,
      }
      %scan3A_27 = arith.constant 8 : i32
    }
    %scan3A_6 = arith.constant 128 : i32
    %scan3A_7 = arith.constant 0 : i32
    %scan3A_8 = arith.constant 5 : i32
    %scan3A_9 = arith.addi %scan3A_7, %scan3A_8 : i32
    %scan3A_10 = arith.constant 1 : i32
    scf.for %scan3A_18 = %scan3A_7 to %scan3A_9 step %scan3A_10  : i32 {
      %mul3A_19 = arith.constant 128 : i32
      %mul3A_20 = arith.muli %scan3A_18, %mul3A_19 : i32
      %add3A_21 = arith.constant 0 : i32
      %add3A_22 = arith.addi %add3A_21, %mul3A_20 : i32
      %add3A_23 = arith.addi %mul3A_2, %add3A_22 : i32
      "tpu.region"() ({
        %run_scoped3A = tpu.sem_alloc : memref<!tpu.dma_semaphore, #tpu.memory_space<semaphore_mem>>
        %dma_start3A = arith.constant 0 : i32
        %dma_start3A_24 = tpu.memref_slice %arg5[%add3A_23, %dma_start3A] : memref<10240x128xf32, #tpu.memory_space<vmem_shared>> -> memref<128x128xf32, #tpu.memory_space<vmem_shared>>
        %dma_start3A_25 = arith.constant 0 : i32
        %dma_start3A_26 = tpu.memref_slice %arg5[%add3A_23, %dma_start3A_25] : memref<10240x128xf32, #tpu.memory_space<vmem_shared>> -> memref<128x128xf32, #tpu.memory_space<vmem_shared>>
        tpu.enqueue_dma source(%arg7 : memref<128x128xf32, #tpu.memory_space<vmem>>) target(%dma_start3A_26 : memref<128x128xf32, #tpu.memory_space<vmem_shared>>) target_semaphore(%run_scoped3A : memref<!tpu.dma_semaphore, #tpu.memory_space<semaphore_mem>>)
        %dma_wait3A = arith.constant 0 : i32
        %dma_wait3A_27 = tpu.memref_slice %arg5[%add3A_23, %dma_wait3A] : memref<10240x128xf32, #tpu.memory_space<vmem_shared>> -> memref<128x128xf32, #tpu.memory_space<vmem_shared>>
        %dma_wait3A_28 = arith.constant 0 : i32
        %dma_wait3A_29 = tpu.memref_slice %arg5[%add3A_23, %dma_wait3A_28] : memref<10240x128xf32, #tpu.memory_space<vmem_shared>> -> memref<128x128xf32, #tpu.memory_space<vmem_shared>>
        tpu.wait_dma2 semaphore(%run_scoped3A : memref<!tpu.dma_semaphore, #tpu.memory_space<semaphore_mem>>) src(%arg7 : memref<128x128xf32, #tpu.memory_space<vmem>>) dst(%dma_wait3A_29 : memref<128x128xf32, #tpu.memory_space<vmem_shared>>)
        tpu.yield
      }) : () -> ()
    }
    %scan3A_11 = arith.constant 5 : i32
    %barrier3A = arith.constant 0 : index
    tpu.barrier barrier_id(%barrier3A)
    %scan3A_12 = arith.constant 0 : i32
    %scan3A_13 = arith.constant 20 : i32
    %scan3A_14 = arith.addi %scan3A_12, %scan3A_13 : i32
    %scan3A_15 = arith.constant 1 : i32
    scf.for %scan3A_18 = %scan3A_12 to %scan3A_14 step %scan3A_15  : i32 {
      %mul3A_19 = arith.constant 4 : i32
      %mul3A_20 = arith.muli %scan3A_18, %mul3A_19 : i32
      %add3A_21 = arith.constant 0 : i32
      %add3A_22 = arith.addi %add3A_21, %mul3A_20 : i32
      %mul3A_23 = arith.constant 80 : i32
      %mul3A_24 = arith.muli %add3A, %mul3A_23 : i32
      %add3A_25 = arith.addi %mul3A_24, %add3A_22 : i32
      "tpu.region"() ({
        %run_scoped3A_41 = tpu.sem_alloc : memref<!tpu.dma_semaphore, #tpu.memory_space<semaphore_mem>>
        %dma_start3A = arith.constant 0 : i32
        %dma_start3A_42 = arith.constant 0 : i32
        %dma_start3A_43 = tpu.memref_slice %arg3[%add3A_25, %dma_start3A, %dma_start3A_42] : memref<2560x2x128xi32, #tpu.memory_space<hbm>> -> memref<4x2x128xi32, #tpu.memory_space<hbm>>
        %dma_start3A_44 = arith.constant 0 : i32
        %dma_start3A_45 = arith.constant 0 : i32
        %dma_start3A_46 = tpu.memref_slice %arg3[%add3A_25, %dma_start3A_44, %dma_start3A_45] : memref<2560x2x128xi32, #tpu.memory_space<hbm>> -> memref<4x2x128xi32, #tpu.memory_space<hbm>>
        tpu.enqueue_dma source(%dma_start3A_46 : memref<4x2x128xi32, #tpu.memory_space<hbm>>) target(%arg6 : memref<4x2x128xi32, #tpu.memory_space<vmem>>) target_semaphore(%run_scoped3A_41 : memref<!tpu.dma_semaphore, #tpu.memory_space<semaphore_mem>>)
        %dma_wait3A = arith.constant 0 : i32
        %dma_wait3A_47 = arith.constant 0 : i32
        %dma_wait3A_48 = tpu.memref_slice %arg3[%add3A_25, %dma_wait3A, %dma_wait3A_47] : memref<2560x2x128xi32, #tpu.memory_space<hbm>> -> memref<4x2x128xi32, #tpu.memory_space<hbm>>
        %dma_wait3A_49 = arith.constant 0 : i32
        %dma_wait3A_50 = arith.constant 0 : i32
        %dma_wait3A_51 = tpu.memref_slice %arg3[%add3A_25, %dma_wait3A_49, %dma_wait3A_50] : memref<2560x2x128xi32, #tpu.memory_space<hbm>> -> memref<4x2x128xi32, #tpu.memory_space<hbm>>
        tpu.wait_dma2 semaphore(%run_scoped3A_41 : memref<!tpu.dma_semaphore, #tpu.memory_space<semaphore_mem>>) src(%dma_wait3A_51 : memref<4x2x128xi32, #tpu.memory_space<hbm>>) dst(%arg6 : memref<4x2x128xi32, #tpu.memory_space<vmem>>)
        tpu.yield
      }) : () -> ()
      %run_scoped3A = arith.constant 0 : i32
      %run_scoped3A_26 = arith.constant 0 : i32
      "tpu.region"() ({
        %run_scoped3A_41 = tpu.sem_alloc : memref<!tpu.dma_semaphore, #tpu.memory_space<semaphore_mem>>
        %dma_start3A = arith.constant 0 : i32
        %dma_start3A_42 = arith.constant 0 : i32
        %dma_start3A_43 = tpu.memref_slice %arg6[%run_scoped3A, %dma_start3A, %dma_start3A_42] : memref<4x2x128xi32, #tpu.memory_space<vmem>> -> memref<1x2x128xi32, #tpu.memory_space<vmem>>
        %dma_start3A_44 = tpu.memref_squeeze %dma_start3A_43 : memref<1x2x128xi32, #tpu.memory_space<vmem>> -> memref<2x128xi32, #tpu.memory_space<vmem>>
        %dma_start3A_45 = arith.constant 0 : i32
        %dma_start3A_46 = tpu.memref_slice %dma_start3A_44[%run_scoped3A_26, %dma_start3A_45] : memref<2x128xi32, #tpu.memory_space<vmem>> -> memref<1x128xi32, #tpu.memory_space<vmem>>
        %dma_start3A_47 = tpu.memref_squeeze %dma_start3A_46 : memref<1x128xi32, #tpu.memory_space<vmem>> -> memref<128xi32, #tpu.memory_space<vmem>>
        %dma_start3A_48 = arith.constant 0 : i32
        %dma_start3A_49 = arith.constant 0 : i32
        %dma_start3A_50 = tpu.memref_slice %arg2[%dma_start3A_48, %dma_start3A_49] : memref<10000x128xf32, #tpu.memory_space<hbm>> -> memref<10000x128xf32, #tpu.memory_space<hbm>>
        tpu.enqueue_indirect_dma source(%dma_start3A_50 : memref<10000x128xf32, #tpu.memory_space<hbm>>) target(%arg7 : memref<128x128xf32, #tpu.memory_space<vmem>>) offsets(%dma_start3A_47 : memref<128xi32, #tpu.memory_space<vmem>>) semaphore(%run_scoped3A_41 : memref<!tpu.dma_semaphore, #tpu.memory_space<semaphore_mem>>)
        %dma_wait3A = arith.constant 0 : i32
        %dma_wait3A_51 = arith.constant 0 : i32
        %dma_wait3A_52 = tpu.memref_slice %arg6[%run_scoped3A, %dma_wait3A, %dma_wait3A_51] : memref<4x2x128xi32, #tpu.memory_space<vmem>> -> memref<1x2x128xi32, #tpu.memory_space<vmem>>
        %dma_wait3A_53 = tpu.memref_squeeze %dma_wait3A_52 : memref<1x2x128xi32, #tpu.memory_space<vmem>> -> memref<2x128xi32, #tpu.memory_space<vmem>>
        %dma_wait3A_54 = arith.constant 0 : i32
        %dma_wait3A_55 = tpu.memref_slice %dma_wait3A_53[%run_scoped3A_26, %dma_wait3A_54] : memref<2x128xi32, #tpu.memory_space<vmem>> -> memref<1x128xi32, #tpu.memory_space<vmem>>
        %dma_wait3A_56 = tpu.memref_squeeze %dma_wait3A_55 : memref<1x128xi32, #tpu.memory_space<vmem>> -> memref<128xi32, #tpu.memory_space<vmem>>
        %dma_wait3A_57 = arith.constant 0 : i32
        %dma_wait3A_58 = arith.constant 0 : i32
        %dma_wait3A_59 = tpu.memref_slice %arg2[%dma_wait3A_57, %dma_wait3A_58] : memref<10000x128xf32, #tpu.memory_space<hbm>> -> memref<10000x128xf32, #tpu.memory_space<hbm>>
        tpu.wait_indirect_dma semaphore(%run_scoped3A_41 : memref<!tpu.dma_semaphore, #tpu.memory_space<semaphore_mem>>) src(%dma_wait3A_59 : memref<10000x128xf32, #tpu.memory_space<hbm>>) dst(%arg7 : memref<128x128xf32, #tpu.memory_space<vmem>>)
        tpu.yield
      }) : () -> ()
      %run_scoped3A_27 = arith.constant 0 : i32
      %run_scoped3A_28 = arith.constant 1 : i32
      "tpu.region"() ({
        %run_scoped3A_41 = tpu.sem_alloc : memref<!tpu.dma_semaphore, #tpu.memory_space<semaphore_mem>>
        %dma_start3A = arith.constant 0 : i32
        %dma_start3A_42 = arith.constant 0 : i32
        %dma_start3A_43 = tpu.memref_slice %arg6[%run_scoped3A_27, %dma_start3A, %dma_start3A_42] : memref<4x2x128xi32, #tpu.memory_space<vmem>> -> memref<1x2x128xi32, #tpu.memory_space<vmem>>
        %dma_start3A_44 = tpu.memref_squeeze %dma_start3A_43 : memref<1x2x128xi32, #tpu.memory_space<vmem>> -> memref<2x128xi32, #tpu.memory_space<vmem>>
        %dma_start3A_45 = arith.constant 0 : i32
        %dma_start3A_46 = tpu.memref_slice %dma_start3A_44[%run_scoped3A_28, %dma_start3A_45] : memref<2x128xi32, #tpu.memory_space<vmem>> -> memref<1x128xi32, #tpu.memory_space<vmem>>
        %dma_start3A_47 = tpu.memref_squeeze %dma_start3A_46 : memref<1x128xi32, #tpu.memory_space<vmem>> -> memref<128xi32, #tpu.memory_space<vmem>>
        %dma_start3A_48 = arith.constant 0 : i32
        %dma_start3A_49 = arith.constant 0 : i32
        %dma_start3A_50 = tpu.memref_slice %arg5[%dma_start3A_48, %dma_start3A_49] : memref<10240x128xf32, #tpu.memory_space<vmem_shared>> -> memref<10240x128xf32, #tpu.memory_space<vmem_shared>>
        tpu.enqueue_indirect_dma source(%arg7 : memref<128x128xf32, #tpu.memory_space<vmem>>) target(%dma_start3A_50 : memref<10240x128xf32, #tpu.memory_space<vmem_shared>>) offsets(%dma_start3A_47 : memref<128xi32, #tpu.memory_space<vmem>>) semaphore(%run_scoped3A_41 : memref<!tpu.dma_semaphore, #tpu.memory_space<semaphore_mem>>) {add = true}
        %dma_wait3A = arith.constant 0 : i32
        %dma_wait3A_51 = arith.constant 0 : i32
        %dma_wait3A_52 = tpu.memref_slice %arg6[%run_scoped3A_27, %dma_wait3A, %dma_wait3A_51] : memref<4x2x128xi32, #tpu.memory_space<vmem>> -> memref<1x2x128xi32, #tpu.memory_space<vmem>>
        %dma_wait3A_53 = tpu.memref_squeeze %dma_wait3A_52 : memref<1x2x128xi32, #tpu.memory_space<vmem>> -> memref<2x128xi32, #tpu.memory_space<vmem>>
        %dma_wait3A_54 = arith.constant 0 : i32
        %dma_wait3A_55 = tpu.memref_slice %dma_wait3A_53[%run_scoped3A_28, %dma_wait3A_54] : memref<2x128xi32, #tpu.memory_space<vmem>> -> memref<1x128xi32, #tpu.memory_space<vmem>>
        %dma_wait3A_56 = tpu.memref_squeeze %dma_wait3A_55 : memref<1x128xi32, #tpu.memory_space<vmem>> -> memref<128xi32, #tpu.memory_space<vmem>>
        %dma_wait3A_57 = arith.constant 0 : i32
        %dma_wait3A_58 = arith.constant 0 : i32
        %dma_wait3A_59 = tpu.memref_slice %arg5[%dma_wait3A_57, %dma_wait3A_58] : memref<10240x128xf32, #tpu.memory_space<vmem_shared>> -> memref<10240x128xf32, #tpu.memory_space<vmem_shared>>
        tpu.wait_indirect_dma semaphore(%run_scoped3A_41 : memref<!tpu.dma_semaphore, #tpu.memory_space<semaphore_mem>>) src(%arg7 : memref<128x128xf32, #tpu.memory_space<vmem>>) dst(%dma_wait3A_59 : memref<10240x128xf32, #tpu.memory_space<vmem_shared>>)
        tpu.yield
      }) : () -> ()
      %run_scoped3A_29 = arith.constant 1 : i32
      %run_scoped3A_30 = arith.constant 0 : i32
      "tpu.region"() ({
        %run_scoped3A_41 = tpu.sem_alloc : memref<!tpu.dma_semaphore, #tpu.memory_space<semaphore_mem>>
        %dma_start3A = arith.constant 0 : i32
        %dma_start3A_42 = arith.constant 0 : i32
        %dma_start3A_43 = tpu.memref_slice %arg6[%run_scoped3A_29, %dma_start3A, %dma_start3A_42] : memref<4x2x128xi32, #tpu.memory_space<vmem>> -> memref<1x2x128xi32, #tpu.memory_space<vmem>>
        %dma_start3A_44 = tpu.memref_squeeze %dma_start3A_43 : memref<1x2x128xi32, #tpu.memory_space<vmem>> -> memref<2x128xi32, #tpu.memory_space<vmem>>
        %dma_start3A_45 = arith.constant 0 : i32
        %dma_start3A_46 = tpu.memref_slice %dma_start3A_44[%run_scoped3A_30, %dma_start3A_45] : memref<2x128xi32, #tpu.memory_space<vmem>> -> memref<1x128xi32, #tpu.memory_space<vmem>>
        %dma_start3A_47 = tpu.memref_squeeze %dma_start3A_46 : memref<1x128xi32, #tpu.memory_space<vmem>> -> memref<128xi32, #tpu.memory_space<vmem>>
        %dma_start3A_48 = arith.constant 0 : i32
        %dma_start3A_49 = arith.constant 0 : i32
        %dma_start3A_50 = tpu.memref_slice %arg2[%dma_start3A_48, %dma_start3A_49] : memref<10000x128xf32, #tpu.memory_space<hbm>> -> memref<10000x128xf32, #tpu.memory_space<hbm>>
        tpu.enqueue_indirect_dma source(%dma_start3A_50 : memref<10000x128xf32, #tpu.memory_space<hbm>>) target(%arg7 : memref<128x128xf32, #tpu.memory_space<vmem>>) offsets(%dma_start3A_47 : memref<128xi32, #tpu.memory_space<vmem>>) semaphore(%run_scoped3A_41 : memref<!tpu.dma_semaphore, #tpu.memory_space<semaphore_mem>>)
        %dma_wait3A = arith.constant 0 : i32
        %dma_wait3A_51 = arith.constant 0 : i32
        %dma_wait3A_52 = tpu.memref_slice %arg6[%run_scoped3A_29, %dma_wait3A, %dma_wait3A_51] : memref<4x2x128xi32, #tpu.memory_space<vmem>> -> memref<1x2x128xi32, #tpu.memory_space<vmem>>
        %dma_wait3A_53 = tpu.memref_squeeze %dma_wait3A_52 : memref<1x2x128xi32, #tpu.memory_space<vmem>> -> memref<2x128xi32, #tpu.memory_space<vmem>>
        %dma_wait3A_54 = arith.constant 0 : i32
        %dma_wait3A_55 = tpu.memref_slice %dma_wait3A_53[%run_scoped3A_30, %dma_wait3A_54] : memref<2x128xi32, #tpu.memory_space<vmem>> -> memref<1x128xi32, #tpu.memory_space<vmem>>
        %dma_wait3A_56 = tpu.memref_squeeze %dma_wait3A_55 : memref<1x128xi32, #tpu.memory_space<vmem>> -> memref<128xi32, #tpu.memory_space<vmem>>
        %dma_wait3A_57 = arith.constant 0 : i32
        %dma_wait3A_58 = arith.constant 0 : i32
        %dma_wait3A_59 = tpu.memref_slice %arg2[%dma_wait3A_57, %dma_wait3A_58] : memref<10000x128xf32, #tpu.memory_space<hbm>> -> memref<10000x128xf32, #tpu.memory_space<hbm>>
        tpu.wait_indirect_dma semaphore(%run_scoped3A_41 : memref<!tpu.dma_semaphore, #tpu.memory_space<semaphore_mem>>) src(%dma_wait3A_59 : memref<10000x128xf32, #tpu.memory_space<hbm>>) dst(%arg7 : memref<128x128xf32, #tpu.memory_space<vmem>>)
        tpu.yield
      }) : () -> ()
      %run_scoped3A_31 = arith.constant 1 : i32
      %run_scoped3A_32 = arith.constant 1 : i32
      "tpu.region"() ({
        %run_scoped3A_41 = tpu.sem_alloc : memref<!tpu.dma_semaphore, #tpu.memory_space<semaphore_mem>>
        %dma_start3A = arith.constant 0 : i32
        %dma_start3A_42 = arith.constant 0 : i32
        %dma_start3A_43 = tpu.memref_slice %arg6[%run_scoped3A_31, %dma_start3A, %dma_start3A_42] : memref<4x2x128xi32, #tpu.memory_space<vmem>> -> memref<1x2x128xi32, #tpu.memory_space<vmem>>
        %dma_start3A_44 = tpu.memref_squeeze %dma_start3A_43 : memref<1x2x128xi32, #tpu.memory_space<vmem>> -> memref<2x128xi32, #tpu.memory_space<vmem>>
        %dma_start3A_45 = arith.constant 0 : i32
        %dma_start3A_46 = tpu.memref_slice %dma_start3A_44[%run_scoped3A_32, %dma_start3A_45] : memref<2x128xi32, #tpu.memory_space<vmem>> -> memref<1x128xi32, #tpu.memory_space<vmem>>
        %dma_start3A_47 = tpu.memref_squeeze %dma_start3A_46 : memref<1x128xi32, #tpu.memory_space<vmem>> -> memref<128xi32, #tpu.memory_space<vmem>>
        %dma_start3A_48 = arith.constant 0 : i32
        %dma_start3A_49 = arith.constant 0 : i32
        %dma_start3A_50 = tpu.memref_slice %arg5[%dma_start3A_48, %dma_start3A_49] : memref<10240x128xf32, #tpu.memory_space<vmem_shared>> -> memref<10240x128xf32, #tpu.memory_space<vmem_shared>>
        tpu.enqueue_indirect_dma source(%arg7 : memref<128x128xf32, #tpu.memory_space<vmem>>) target(%dma_start3A_50 : memref<10240x128xf32, #tpu.memory_space<vmem_shared>>) offsets(%dma_start3A_47 : memref<128xi32, #tpu.memory_space<vmem>>) semaphore(%run_scoped3A_41 : memref<!tpu.dma_semaphore, #tpu.memory_space<semaphore_mem>>) {add = true}
        %dma_wait3A = arith.constant 0 : i32
        %dma_wait3A_51 = arith.constant 0 : i32
        %dma_wait3A_52 = tpu.memref_slice %arg6[%run_scoped3A_31, %dma_wait3A, %dma_wait3A_51] : memref<4x2x128xi32, #tpu.memory_space<vmem>> -> memref<1x2x128xi32, #tpu.memory_space<vmem>>
        %dma_wait3A_53 = tpu.memref_squeeze %dma_wait3A_52 : memref<1x2x128xi32, #tpu.memory_space<vmem>> -> memref<2x128xi32, #tpu.memory_space<vmem>>
        %dma_wait3A_54 = arith.constant 0 : i32
        %dma_wait3A_55 = tpu.memref_slice %dma_wait3A_53[%run_scoped3A_32, %dma_wait3A_54] : memref<2x128xi32, #tpu.memory_space<vmem>> -> memref<1x128xi32, #tpu.memory_space<vmem>>
        %dma_wait3A_56 = tpu.memref_squeeze %dma_wait3A_55 : memref<1x128xi32, #tpu.memory_space<vmem>> -> memref<128xi32, #tpu.memory_space<vmem>>
        %dma_wait3A_57 = arith.constant 0 : i32
        %dma_wait3A_58 = arith.constant 0 : i32
        %dma_wait3A_59 = tpu.memref_slice %arg5[%dma_wait3A_57, %dma_wait3A_58] : memref<10240x128xf32, #tpu.memory_space<vmem_shared>> -> memref<10240x128xf32, #tpu.memory_space<vmem_shared>>
        tpu.wait_indirect_dma semaphore(%run_scoped3A_41 : memref<!tpu.dma_semaphore, #tpu.memory_space<semaphore_mem>>) src(%arg7 : memref<128x128xf32, #tpu.memory_space<vmem>>) dst(%dma_wait3A_59 : memref<10240x128xf32, #tpu.memory_space<vmem_shared>>)
        tpu.yield
      }) : () -> ()
      %run_scoped3A_33 = arith.constant 2 : i32
      %run_scoped3A_34 = arith.constant 0 : i32
      "tpu.region"() ({
        %run_scoped3A_41 = tpu.sem_alloc : memref<!tpu.dma_semaphore, #tpu.memory_space<semaphore_mem>>
        %dma_start3A = arith.constant 0 : i32
        %dma_start3A_42 = arith.constant 0 : i32
        %dma_start3A_43 = tpu.memref_slice %arg6[%run_scoped3A_33, %dma_start3A, %dma_start3A_42] : memref<4x2x128xi32, #tpu.memory_space<vmem>> -> memref<1x2x128xi32, #tpu.memory_space<vmem>>
        %dma_start3A_44 = tpu.memref_squeeze %dma_start3A_43 : memref<1x2x128xi32, #tpu.memory_space<vmem>> -> memref<2x128xi32, #tpu.memory_space<vmem>>
        %dma_start3A_45 = arith.constant 0 : i32
        %dma_start3A_46 = tpu.memref_slice %dma_start3A_44[%run_scoped3A_34, %dma_start3A_45] : memref<2x128xi32, #tpu.memory_space<vmem>> -> memref<1x128xi32, #tpu.memory_space<vmem>>
        %dma_start3A_47 = tpu.memref_squeeze %dma_start3A_46 : memref<1x128xi32, #tpu.memory_space<vmem>> -> memref<128xi32, #tpu.memory_space<vmem>>
        %dma_start3A_48 = arith.constant 0 : i32
        %dma_start3A_49 = arith.constant 0 : i32
        %dma_start3A_50 = tpu.memref_slice %arg2[%dma_start3A_48, %dma_start3A_49] : memref<10000x128xf32, #tpu.memory_space<hbm>> -> memref<10000x128xf32, #tpu.memory_space<hbm>>
        tpu.enqueue_indirect_dma source(%dma_start3A_50 : memref<10000x128xf32, #tpu.memory_space<hbm>>) target(%arg7 : memref<128x128xf32, #tpu.memory_space<vmem>>) offsets(%dma_start3A_47 : memref<128xi32, #tpu.memory_space<vmem>>) semaphore(%run_scoped3A_41 : memref<!tpu.dma_semaphore, #tpu.memory_space<semaphore_mem>>)
        %dma_wait3A = arith.constant 0 : i32
        %dma_wait3A_51 = arith.constant 0 : i32
        %dma_wait3A_52 = tpu.memref_slice %arg6[%run_scoped3A_33, %dma_wait3A, %dma_wait3A_51] : memref<4x2x128xi32, #tpu.memory_space<vmem>> -> memref<1x2x128xi32, #tpu.memory_space<vmem>>
        %dma_wait3A_53 = tpu.memref_squeeze %dma_wait3A_52 : memref<1x2x128xi32, #tpu.memory_space<vmem>> -> memref<2x128xi32, #tpu.memory_space<vmem>>
        %dma_wait3A_54 = arith.constant 0 : i32
        %dma_wait3A_55 = tpu.memref_slice %dma_wait3A_53[%run_scoped3A_34, %dma_wait3A_54] : memref<2x128xi32, #tpu.memory_space<vmem>> -> memref<1x128xi32, #tpu.memory_space<vmem>>
        %dma_wait3A_56 = tpu.memref_squeeze %dma_wait3A_55 : memref<1x128xi32, #tpu.memory_space<vmem>> -> memref<128xi32, #tpu.memory_space<vmem>>
        %dma_wait3A_57 = arith.constant 0 : i32
        %dma_wait3A_58 = arith.constant 0 : i32
        %dma_wait3A_59 = tpu.memref_slice %arg2[%dma_wait3A_57, %dma_wait3A_58] : memref<10000x128xf32, #tpu.memory_space<hbm>> -> memref<10000x128xf32, #tpu.memory_space<hbm>>
        tpu.wait_indirect_dma semaphore(%run_scoped3A_41 : memref<!tpu.dma_semaphore, #tpu.memory_space<semaphore_mem>>) src(%dma_wait3A_59 : memref<10000x128xf32, #tpu.memory_space<hbm>>) dst(%arg7 : memref<128x128xf32, #tpu.memory_space<vmem>>)
        tpu.yield
      }) : () -> ()
      %run_scoped3A_35 = arith.constant 2 : i32
      %run_scoped3A_36 = arith.constant 1 : i32
      "tpu.region"() ({
        %run_scoped3A_41 = tpu.sem_alloc : memref<!tpu.dma_semaphore, #tpu.memory_space<semaphore_mem>>
        %dma_start3A = arith.constant 0 : i32
        %dma_start3A_42 = arith.constant 0 : i32
        %dma_start3A_43 = tpu.memref_slice %arg6[%run_scoped3A_35, %dma_start3A, %dma_start3A_42] : memref<4x2x128xi32, #tpu.memory_space<vmem>> -> memref<1x2x128xi32, #tpu.memory_space<vmem>>
        %dma_start3A_44 = tpu.memref_squeeze %dma_start3A_43 : memref<1x2x128xi32, #tpu.memory_space<vmem>> -> memref<2x128xi32, #tpu.memory_space<vmem>>
        %dma_start3A_45 = arith.constant 0 : i32
        %dma_start3A_46 = tpu.memref_slice %dma_start3A_44[%run_scoped3A_36, %dma_start3A_45] : memref<2x128xi32, #tpu.memory_space<vmem>> -> memref<1x128xi32, #tpu.memory_space<vmem>>
        %dma_start3A_47 = tpu.memref_squeeze %dma_start3A_46 : memref<1x128xi32, #tpu.memory_space<vmem>> -> memref<128xi32, #tpu.memory_space<vmem>>
        %dma_start3A_48 = arith.constant 0 : i32
        %dma_start3A_49 = arith.constant 0 : i32
        %dma_start3A_50 = tpu.memref_slice %arg5[%dma_start3A_48, %dma_start3A_49] : memref<10240x128xf32, #tpu.memory_space<vmem_shared>> -> memref<10240x128xf32, #tpu.memory_space<vmem_shared>>
        tpu.enqueue_indirect_dma source(%arg7 : memref<128x128xf32, #tpu.memory_space<vmem>>) target(%dma_start3A_50 : memref<10240x128xf32, #tpu.memory_space<vmem_shared>>) offsets(%dma_start3A_47 : memref<128xi32, #tpu.memory_space<vmem>>) semaphore(%run_scoped3A_41 : memref<!tpu.dma_semaphore, #tpu.memory_space<semaphore_mem>>) {add = true}
        %dma_wait3A = arith.constant 0 : i32
        %dma_wait3A_51 = arith.constant 0 : i32
        %dma_wait3A_52 = tpu.memref_slice %arg6[%run_scoped3A_35, %dma_wait3A, %dma_wait3A_51] : memref<4x2x128xi32, #tpu.memory_space<vmem>> -> memref<1x2x128xi32, #tpu.memory_space<vmem>>
        %dma_wait3A_53 = tpu.memref_squeeze %dma_wait3A_52 : memref<1x2x128xi32, #tpu.memory_space<vmem>> -> memref<2x128xi32, #tpu.memory_space<vmem>>
        %dma_wait3A_54 = arith.constant 0 : i32
        %dma_wait3A_55 = tpu.memref_slice %dma_wait3A_53[%run_scoped3A_36, %dma_wait3A_54] : memref<2x128xi32, #tpu.memory_space<vmem>> -> memref<1x128xi32, #tpu.memory_space<vmem>>
        %dma_wait3A_56 = tpu.memref_squeeze %dma_wait3A_55 : memref<1x128xi32, #tpu.memory_space<vmem>> -> memref<128xi32, #tpu.memory_space<vmem>>
        %dma_wait3A_57 = arith.constant 0 : i32
        %dma_wait3A_58 = arith.constant 0 : i32
        %dma_wait3A_59 = tpu.memref_slice %arg5[%dma_wait3A_57, %dma_wait3A_58] : memref<10240x128xf32, #tpu.memory_space<vmem_shared>> -> memref<10240x128xf32, #tpu.memory_space<vmem_shared>>
        tpu.wait_indirect_dma semaphore(%run_scoped3A_41 : memref<!tpu.dma_semaphore, #tpu.memory_space<semaphore_mem>>) src(%arg7 : memref<128x128xf32, #tpu.memory_space<vmem>>) dst(%dma_wait3A_59 : memref<10240x128xf32, #tpu.memory_space<vmem_shared>>)
        tpu.yield
      }) : () -> ()
      %run_scoped3A_37 = arith.constant 3 : i32
      %run_scoped3A_38 = arith.constant 0 : i32
      "tpu.region"() ({
        %run_scoped3A_41 = tpu.sem_alloc : memref<!tpu.dma_semaphore, #tpu.memory_space<semaphore_mem>>
        %dma_start3A = arith.constant 0 : i32
        %dma_start3A_42 = arith.constant 0 : i32
        %dma_start3A_43 = tpu.memref_slice %arg6[%run_scoped3A_37, %dma_start3A, %dma_start3A_42] : memref<4x2x128xi32, #tpu.memory_space<vmem>> -> memref<1x2x128xi32, #tpu.memory_space<vmem>>
        %dma_start3A_44 = tpu.memref_squeeze %dma_start3A_43 : memref<1x2x128xi32, #tpu.memory_space<vmem>> -> memref<2x128xi32, #tpu.memory_space<vmem>>
        %dma_start3A_45 = arith.constant 0 : i32
        %dma_start3A_46 = tpu.memref_slice %dma_start3A_44[%run_scoped3A_38, %dma_start3A_45] : memref<2x128xi32, #tpu.memory_space<vmem>> -> memref<1x128xi32, #tpu.memory_space<vmem>>
        %dma_start3A_47 = tpu.memref_squeeze %dma_start3A_46 : memref<1x128xi32, #tpu.memory_space<vmem>> -> memref<128xi32, #tpu.memory_space<vmem>>
        %dma_start3A_48 = arith.constant 0 : i32
        %dma_start3A_49 = arith.constant 0 : i32
        %dma_start3A_50 = tpu.memref_slice %arg2[%dma_start3A_48, %dma_start3A_49] : memref<10000x128xf32, #tpu.memory_space<hbm>> -> memref<10000x128xf32, #tpu.memory_space<hbm>>
        tpu.enqueue_indirect_dma source(%dma_start3A_50 : memref<10000x128xf32, #tpu.memory_space<hbm>>) target(%arg7 : memref<128x128xf32, #tpu.memory_space<vmem>>) offsets(%dma_start3A_47 : memref<128xi32, #tpu.memory_space<vmem>>) semaphore(%run_scoped3A_41 : memref<!tpu.dma_semaphore, #tpu.memory_space<semaphore_mem>>)
        %dma_wait3A = arith.constant 0 : i32
        %dma_wait3A_51 = arith.constant 0 : i32
        %dma_wait3A_52 = tpu.memref_slice %arg6[%run_scoped3A_37, %dma_wait3A, %dma_wait3A_51] : memref<4x2x128xi32, #tpu.memory_space<vmem>> -> memref<1x2x128xi32, #tpu.memory_space<vmem>>
        %dma_wait3A_53 = tpu.memref_squeeze %dma_wait3A_52 : memref<1x2x128xi32, #tpu.memory_space<vmem>> -> memref<2x128xi32, #tpu.memory_space<vmem>>
        %dma_wait3A_54 = arith.constant 0 : i32
        %dma_wait3A_55 = tpu.memref_slice %dma_wait3A_53[%run_scoped3A_38, %dma_wait3A_54] : memref<2x128xi32, #tpu.memory_space<vmem>> -> memref<1x128xi32, #tpu.memory_space<vmem>>
        %dma_wait3A_56 = tpu.memref_squeeze %dma_wait3A_55 : memref<1x128xi32, #tpu.memory_space<vmem>> -> memref<128xi32, #tpu.memory_space<vmem>>
        %dma_wait3A_57 = arith.constant 0 : i32
        %dma_wait3A_58 = arith.constant 0 : i32
        %dma_wait3A_59 = tpu.memref_slice %arg2[%dma_wait3A_57, %dma_wait3A_58] : memref<10000x128xf32, #tpu.memory_space<hbm>> -> memref<10000x128xf32, #tpu.memory_space<hbm>>
        tpu.wait_indirect_dma semaphore(%run_scoped3A_41 : memref<!tpu.dma_semaphore, #tpu.memory_space<semaphore_mem>>) src(%dma_wait3A_59 : memref<10000x128xf32, #tpu.memory_space<hbm>>) dst(%arg7 : memref<128x128xf32, #tpu.memory_space<vmem>>)
        tpu.yield
      }) : () -> ()
      %run_scoped3A_39 = arith.constant 3 : i32
      %run_scoped3A_40 = arith.constant 1 : i32
      "tpu.region"() ({
        %run_scoped3A_41 = tpu.sem_alloc : memref<!tpu.dma_semaphore, #tpu.memory_space<semaphore_mem>>
        %dma_start3A = arith.constant 0 : i32
        %dma_start3A_42 = arith.constant 0 : i32
        %dma_start3A_43 = tpu.memref_slice %arg6[%run_scoped3A_39, %dma_start3A, %dma_start3A_42] : memref<4x2x128xi32, #tpu.memory_space<vmem>> -> memref<1x2x128xi32, #tpu.memory_space<vmem>>
        %dma_start3A_44 = tpu.memref_squeeze %dma_start3A_43 : memref<1x2x128xi32, #tpu.memory_space<vmem>> -> memref<2x128xi32, #tpu.memory_space<vmem>>
        %dma_start3A_45 = arith.constant 0 : i32
        %dma_start3A_46 = tpu.memref_slice %dma_start3A_44[%run_scoped3A_40, %dma_start3A_45] : memref<2x128xi32, #tpu.memory_space<vmem>> -> memref<1x128xi32, #tpu.memory_space<vmem>>
        %dma_start3A_47 = tpu.memref_squeeze %dma_start3A_46 : memref<1x128xi32, #tpu.memory_space<vmem>> -> memref<128xi32, #tpu.memory_space<vmem>>
        %dma_start3A_48 = arith.constant 0 : i32
        %dma_start3A_49 = arith.constant 0 : i32
        %dma_start3A_50 = tpu.memref_slice %arg5[%dma_start3A_48, %dma_start3A_49] : memref<10240x128xf32, #tpu.memory_space<vmem_shared>> -> memref<10240x128xf32, #tpu.memory_space<vmem_shared>>
        tpu.enqueue_indirect_dma source(%arg7 : memref<128x128xf32, #tpu.memory_space<vmem>>) target(%dma_start3A_50 : memref<10240x128xf32, #tpu.memory_space<vmem_shared>>) offsets(%dma_start3A_47 : memref<128xi32, #tpu.memory_space<vmem>>) semaphore(%run_scoped3A_41 : memref<!tpu.dma_semaphore, #tpu.memory_space<semaphore_mem>>) {add = true}
        %dma_wait3A = arith.constant 0 : i32
        %dma_wait3A_51 = arith.constant 0 : i32
        %dma_wait3A_52 = tpu.memref_slice %arg6[%run_scoped3A_39, %dma_wait3A, %dma_wait3A_51] : memref<4x2x128xi32, #tpu.memory_space<vmem>> -> memref<1x2x128xi32, #tpu.memory_space<vmem>>
        %dma_wait3A_53 = tpu.memref_squeeze %dma_wait3A_52 : memref<1x2x128xi32, #tpu.memory_space<vmem>> -> memref<2x128xi32, #tpu.memory_space<vmem>>
        %dma_wait3A_54 = arith.constant 0 : i32
        %dma_wait3A_55 = tpu.memref_slice %dma_wait3A_53[%run_scoped3A_40, %dma_wait3A_54] : memref<2x128xi32, #tpu.memory_space<vmem>> -> memref<1x128xi32, #tpu.memory_space<vmem>>
        %dma_wait3A_56 = tpu.memref_squeeze %dma_wait3A_55 : memref<1x128xi32, #tpu.memory_space<vmem>> -> memref<128xi32, #tpu.memory_space<vmem>>
        %dma_wait3A_57 = arith.constant 0 : i32
        %dma_wait3A_58 = arith.constant 0 : i32
        %dma_wait3A_59 = tpu.memref_slice %arg5[%dma_wait3A_57, %dma_wait3A_58] : memref<10240x128xf32, #tpu.memory_space<vmem_shared>> -> memref<10240x128xf32, #tpu.memory_space<vmem_shared>>
        tpu.wait_indirect_dma semaphore(%run_scoped3A_41 : memref<!tpu.dma_semaphore, #tpu.memory_space<semaphore_mem>>) src(%arg7 : memref<128x128xf32, #tpu.memory_space<vmem>>) dst(%dma_wait3A_59 : memref<10240x128xf32, #tpu.memory_space<vmem_shared>>)
        tpu.yield
      }) : () -> ()
    }
    %scan3A_16 = arith.constant 20 : i32
    %barrier3A_17 = arith.constant 0 : index
    tpu.barrier barrier_id(%barrier3A_17)
    "tpu.region"() ({
      %run_scoped3A = tpu.sem_alloc : memref<!tpu.dma_semaphore, #tpu.memory_space<semaphore_mem>>
      %dma_start3A = arith.constant 0 : i32
      %dma_start3A_18 = arith.constant 0 : i32
      %dma_start3A_19 = tpu.memref_slice %arg4[%arg0, %dma_start3A, %dma_start3A_18] : memref<2x10240x128xf32, #tpu.memory_space<hbm>> -> memref<1x10240x128xf32, #tpu.memory_space<hbm>>
      %dma_start3A_20 = tpu.memref_squeeze %dma_start3A_19 : memref<1x10240x128xf32, #tpu.memory_space<hbm>> -> memref<10240x128xf32, #tpu.memory_space<hbm>>
      %dma_start3A_21 = arith.constant 0 : i32
      %dma_start3A_22 = tpu.memref_slice %dma_start3A_20[%mul3A_2, %dma_start3A_21] : memref<10240x128xf32, #tpu.memory_space<hbm>> -> memref<640x128xf32, #tpu.memory_space<hbm>>
      %dma_start3A_23 = arith.constant 0 : i32
      %dma_start3A_24 = tpu.memref_slice %arg5[%mul3A_2, %dma_start3A_23] : memref<10240x128xf32, #tpu.memory_space<vmem_shared>> -> memref<640x128xf32, #tpu.memory_space<vmem_shared>>
      tpu.enqueue_dma source(%dma_start3A_24 : memref<640x128xf32, #tpu.memory_space<vmem_shared>>) target(%dma_start3A_22 : memref<640x128xf32, #tpu.memory_space<hbm>>) target_semaphore(%run_scoped3A : memref<!tpu.dma_semaphore, #tpu.memory_space<semaphore_mem>>)
      %dma_wait3A = arith.constant 0 : i32
      %dma_wait3A_25 = arith.constant 0 : i32
      %dma_wait3A_26 = tpu.memref_slice %arg4[%arg0, %dma_wait3A, %dma_wait3A_25] : memref<2x10240x128xf32, #tpu.memory_space<hbm>> -> memref<1x10240x128xf32, #tpu.memory_space<hbm>>
      %dma_wait3A_27 = tpu.memref_squeeze %dma_wait3A_26 : memref<1x10240x128xf32, #tpu.memory_space<hbm>> -> memref<10240x128xf32, #tpu.memory_space<hbm>>
      %dma_wait3A_28 = arith.constant 0 : i32
      %dma_wait3A_29 = tpu.memref_slice %dma_wait3A_27[%mul3A_2, %dma_wait3A_28] : memref<10240x128xf32, #tpu.memory_space<hbm>> -> memref<640x128xf32, #tpu.memory_space<hbm>>
      %dma_wait3A_30 = arith.constant 0 : i32
      %dma_wait3A_31 = tpu.memref_slice %arg5[%mul3A_2, %dma_wait3A_30] : memref<10240x128xf32, #tpu.memory_space<vmem_shared>> -> memref<640x128xf32, #tpu.memory_space<vmem_shared>>
      tpu.wait_dma2 semaphore(%run_scoped3A : memref<!tpu.dma_semaphore, #tpu.memory_space<semaphore_mem>>) src(%dma_wait3A_31 : memref<640x128xf32, #tpu.memory_space<vmem_shared>>) dst(%dma_wait3A_29 : memref<640x128xf32, #tpu.memory_space<hbm>>)
      tpu.yield
    }) : () -> ()
    return
  }
}

#map = affine_map<(d0, d1) -> (0, 0, 0)>
module attributes {stable_mosaic.version = 14 : i64} {
  func.func @deg_kernel(%arg0: i32, %arg1: i32, %arg2: memref<2560x2x128xi32, #tpu.memory_space<hbm>>, %arg3: memref<2x10240x16xf32, #tpu.memory_space<hbm>>, %arg4: memref<10240x16xf32, #tpu.memory_space<vmem_shared>>, %arg5: memref<4x2x128xi32, #tpu.memory_space<vmem>>, %arg6: memref<128x16xf32, #tpu.memory_space<vmem>>, %arg7: memref<128x16xf32, #tpu.memory_space<vmem>>) attributes {dimension_semantics = [#tpu.dimension_semantics<core_parallel>, #tpu.dimension_semantics<subcore_parallel>], iteration_bounds = array<i64: 2, 16>, scalar_prefetch = 0 : i64, scratch_operands = 4 : i64, tpu.core_type = #tpu.core_type<sc_vector_subcore>, window_params = [{transform_indices = #map}, {transform_indices = #map}]} {
    %mul3A = arith.constant 16 : i32
    %mul3A_0 = arith.muli %arg0, %mul3A : i32
    %add3A = arith.addi %mul3A_0, %arg1 : i32
    %mul3A_1 = arith.constant 640 : i32
    %mul3A_2 = arith.muli %arg1, %mul3A_1 : i32
    %scan3A = arith.constant 0 : i32
    %scan3A_3 = arith.constant 128 : i32
    %scan3A_4 = arith.addi %scan3A, %scan3A_3 : i32
    %scan3A_5 = arith.constant 1 : i32
    scf.for %scan3A_18 = %scan3A to %scan3A_4 step %scan3A_5  : i32 {
      %mul3A_19 = arith.constant 1 : i32
      %mul3A_20 = arith.muli %scan3A_18, %mul3A_19 : i32
      %add3A_21 = arith.constant 0 : i32
      %add3A_22 = arith.addi %add3A_21, %mul3A_20 : i32
      %broadcast_in_dim3A = arith.constant 0.000000e+00 : f32
      %broadcast_in_dim3A_23 = vector.broadcast %broadcast_in_dim3A : f32 to vector<16xf32>
      %swap3A = arith.index_cast %add3A_22 : i32 to index
      %swap3A_24 = arith.constant 0 : index
      %swap3A_25 = tpu.vector_load %arg7[%swap3A, %swap3A_24] {strides = array<i32>} : memref<128x16xf32, #tpu.memory_space<vmem>>, vector<1x16xf32>,
      %swap3A_26 = vector.shape_cast %swap3A_25 : vector<1x16xf32> to vector<16xf32>
      %swap3A_27 = vector.shape_cast %broadcast_in_dim3A_23 : vector<16xf32> to vector<1x16xf32>
      tpu.vector_store %arg7[%swap3A, %swap3A_24], %swap3A_27 {strides = array<i32>} : memref<128x16xf32, #tpu.memory_space<vmem>>, vector<1x16xf32>,
      %broadcast_in_dim3A_28 = arith.constant 1.000000e+00 : f32
      %broadcast_in_dim3A_29 = vector.broadcast %broadcast_in_dim3A_28 : f32 to vector<16xf32>
      %swap3A_30 = arith.index_cast %add3A_22 : i32 to index
      %swap3A_31 = arith.constant 0 : index
      %swap3A_32 = tpu.vector_load %arg6[%swap3A_30, %swap3A_31] {strides = array<i32>} : memref<128x16xf32, #tpu.memory_space<vmem>>, vector<1x16xf32>,
      %swap3A_33 = vector.shape_cast %swap3A_32 : vector<1x16xf32> to vector<16xf32>
      %swap3A_34 = vector.shape_cast %broadcast_in_dim3A_29 : vector<16xf32> to vector<1x16xf32>
      tpu.vector_store %arg6[%swap3A_30, %swap3A_31], %swap3A_34 {strides = array<i32>} : memref<128x16xf32, #tpu.memory_space<vmem>>, vector<1x16xf32>,
    }
    %scan3A_6 = arith.constant 128 : i32
    %scan3A_7 = arith.constant 0 : i32
    %scan3A_8 = arith.constant 5 : i32
    %scan3A_9 = arith.addi %scan3A_7, %scan3A_8 : i32
    %scan3A_10 = arith.constant 1 : i32
    scf.for %scan3A_18 = %scan3A_7 to %scan3A_9 step %scan3A_10  : i32 {
      %mul3A_19 = arith.constant 128 : i32
      %mul3A_20 = arith.muli %scan3A_18, %mul3A_19 : i32
      %add3A_21 = arith.constant 0 : i32
      %add3A_22 = arith.addi %add3A_21, %mul3A_20 : i32
      %add3A_23 = arith.addi %mul3A_2, %add3A_22 : i32
      "tpu.region"() ({
        %run_scoped3A = tpu.sem_alloc : memref<!tpu.dma_semaphore, #tpu.memory_space<semaphore_mem>>
        %dma_start3A = arith.constant 0 : i32
        %dma_start3A_24 = tpu.memref_slice %arg4[%add3A_23, %dma_start3A] : memref<10240x16xf32, #tpu.memory_space<vmem_shared>> -> memref<128x16xf32, #tpu.memory_space<vmem_shared>>
        %dma_start3A_25 = arith.constant 0 : i32
        %dma_start3A_26 = tpu.memref_slice %arg4[%add3A_23, %dma_start3A_25] : memref<10240x16xf32, #tpu.memory_space<vmem_shared>> -> memref<128x16xf32, #tpu.memory_space<vmem_shared>>
        tpu.enqueue_dma source(%arg7 : memref<128x16xf32, #tpu.memory_space<vmem>>) target(%dma_start3A_26 : memref<128x16xf32, #tpu.memory_space<vmem_shared>>) target_semaphore(%run_scoped3A : memref<!tpu.dma_semaphore, #tpu.memory_space<semaphore_mem>>)
        %dma_wait3A = arith.constant 0 : i32
        %dma_wait3A_27 = tpu.memref_slice %arg4[%add3A_23, %dma_wait3A] : memref<10240x16xf32, #tpu.memory_space<vmem_shared>> -> memref<128x16xf32, #tpu.memory_space<vmem_shared>>
        %dma_wait3A_28 = arith.constant 0 : i32
        %dma_wait3A_29 = tpu.memref_slice %arg4[%add3A_23, %dma_wait3A_28] : memref<10240x16xf32, #tpu.memory_space<vmem_shared>> -> memref<128x16xf32, #tpu.memory_space<vmem_shared>>
        tpu.wait_dma2 semaphore(%run_scoped3A : memref<!tpu.dma_semaphore, #tpu.memory_space<semaphore_mem>>) src(%arg7 : memref<128x16xf32, #tpu.memory_space<vmem>>) dst(%dma_wait3A_29 : memref<128x16xf32, #tpu.memory_space<vmem_shared>>)
        tpu.yield
      }) : () -> ()
    }
    %scan3A_11 = arith.constant 5 : i32
    %barrier3A = arith.constant 0 : index
    tpu.barrier barrier_id(%barrier3A)
    %scan3A_12 = arith.constant 0 : i32
    %scan3A_13 = arith.constant 20 : i32
    %scan3A_14 = arith.addi %scan3A_12, %scan3A_13 : i32
    %scan3A_15 = arith.constant 1 : i32
    scf.for %scan3A_18 = %scan3A_12 to %scan3A_14 step %scan3A_15  : i32 {
      %mul3A_19 = arith.constant 4 : i32
      %mul3A_20 = arith.muli %scan3A_18, %mul3A_19 : i32
      %add3A_21 = arith.constant 0 : i32
      %add3A_22 = arith.addi %add3A_21, %mul3A_20 : i32
      %mul3A_23 = arith.constant 80 : i32
      %mul3A_24 = arith.muli %add3A, %mul3A_23 : i32
      %add3A_25 = arith.addi %mul3A_24, %add3A_22 : i32
      "tpu.region"() ({
        %run_scoped3A_33 = tpu.sem_alloc : memref<!tpu.dma_semaphore, #tpu.memory_space<semaphore_mem>>
        %dma_start3A = arith.constant 0 : i32
        %dma_start3A_34 = arith.constant 0 : i32
        %dma_start3A_35 = tpu.memref_slice %arg2[%add3A_25, %dma_start3A, %dma_start3A_34] : memref<2560x2x128xi32, #tpu.memory_space<hbm>> -> memref<4x2x128xi32, #tpu.memory_space<hbm>>
        %dma_start3A_36 = arith.constant 0 : i32
        %dma_start3A_37 = arith.constant 0 : i32
        %dma_start3A_38 = tpu.memref_slice %arg2[%add3A_25, %dma_start3A_36, %dma_start3A_37] : memref<2560x2x128xi32, #tpu.memory_space<hbm>> -> memref<4x2x128xi32, #tpu.memory_space<hbm>>
        tpu.enqueue_dma source(%dma_start3A_38 : memref<4x2x128xi32, #tpu.memory_space<hbm>>) target(%arg5 : memref<4x2x128xi32, #tpu.memory_space<vmem>>) target_semaphore(%run_scoped3A_33 : memref<!tpu.dma_semaphore, #tpu.memory_space<semaphore_mem>>)
        %dma_wait3A = arith.constant 0 : i32
        %dma_wait3A_39 = arith.constant 0 : i32
        %dma_wait3A_40 = tpu.memref_slice %arg2[%add3A_25, %dma_wait3A, %dma_wait3A_39] : memref<2560x2x128xi32, #tpu.memory_space<hbm>> -> memref<4x2x128xi32, #tpu.memory_space<hbm>>
        %dma_wait3A_41 = arith.constant 0 : i32
        %dma_wait3A_42 = arith.constant 0 : i32
        %dma_wait3A_43 = tpu.memref_slice %arg2[%add3A_25, %dma_wait3A_41, %dma_wait3A_42] : memref<2560x2x128xi32, #tpu.memory_space<hbm>> -> memref<4x2x128xi32, #tpu.memory_space<hbm>>
        tpu.wait_dma2 semaphore(%run_scoped3A_33 : memref<!tpu.dma_semaphore, #tpu.memory_space<semaphore_mem>>) src(%dma_wait3A_43 : memref<4x2x128xi32, #tpu.memory_space<hbm>>) dst(%arg5 : memref<4x2x128xi32, #tpu.memory_space<vmem>>)
        tpu.yield
      }) : () -> ()
      %run_scoped3A = arith.constant 0 : i32
      %run_scoped3A_26 = arith.constant 1 : i32
      "tpu.region"() ({
        %run_scoped3A_33 = tpu.sem_alloc : memref<!tpu.dma_semaphore, #tpu.memory_space<semaphore_mem>>
        %dma_start3A = arith.constant 0 : i32
        %dma_start3A_34 = arith.constant 0 : i32
        %dma_start3A_35 = tpu.memref_slice %arg5[%run_scoped3A, %dma_start3A, %dma_start3A_34] : memref<4x2x128xi32, #tpu.memory_space<vmem>> -> memref<1x2x128xi32, #tpu.memory_space<vmem>>
        %dma_start3A_36 = tpu.memref_squeeze %dma_start3A_35 : memref<1x2x128xi32, #tpu.memory_space<vmem>> -> memref<2x128xi32, #tpu.memory_space<vmem>>
        %dma_start3A_37 = arith.constant 0 : i32
        %dma_start3A_38 = tpu.memref_slice %dma_start3A_36[%run_scoped3A_26, %dma_start3A_37] : memref<2x128xi32, #tpu.memory_space<vmem>> -> memref<1x128xi32, #tpu.memory_space<vmem>>
        %dma_start3A_39 = tpu.memref_squeeze %dma_start3A_38 : memref<1x128xi32, #tpu.memory_space<vmem>> -> memref<128xi32, #tpu.memory_space<vmem>>
        %dma_start3A_40 = arith.constant 0 : i32
        %dma_start3A_41 = arith.constant 0 : i32
        %dma_start3A_42 = tpu.memref_slice %arg4[%dma_start3A_40, %dma_start3A_41] : memref<10240x16xf32, #tpu.memory_space<vmem_shared>> -> memref<10240x16xf32, #tpu.memory_space<vmem_shared>>
        tpu.enqueue_indirect_dma source(%arg6 : memref<128x16xf32, #tpu.memory_space<vmem>>) target(%dma_start3A_42 : memref<10240x16xf32, #tpu.memory_space<vmem_shared>>) offsets(%dma_start3A_39 : memref<128xi32, #tpu.memory_space<vmem>>) semaphore(%run_scoped3A_33 : memref<!tpu.dma_semaphore, #tpu.memory_space<semaphore_mem>>) {add = true}
        %dma_wait3A = arith.constant 0 : i32
        %dma_wait3A_43 = arith.constant 0 : i32
        %dma_wait3A_44 = tpu.memref_slice %arg5[%run_scoped3A, %dma_wait3A, %dma_wait3A_43] : memref<4x2x128xi32, #tpu.memory_space<vmem>> -> memref<1x2x128xi32, #tpu.memory_space<vmem>>
        %dma_wait3A_45 = tpu.memref_squeeze %dma_wait3A_44 : memref<1x2x128xi32, #tpu.memory_space<vmem>> -> memref<2x128xi32, #tpu.memory_space<vmem>>
        %dma_wait3A_46 = arith.constant 0 : i32
        %dma_wait3A_47 = tpu.memref_slice %dma_wait3A_45[%run_scoped3A_26, %dma_wait3A_46] : memref<2x128xi32, #tpu.memory_space<vmem>> -> memref<1x128xi32, #tpu.memory_space<vmem>>
        %dma_wait3A_48 = tpu.memref_squeeze %dma_wait3A_47 : memref<1x128xi32, #tpu.memory_space<vmem>> -> memref<128xi32, #tpu.memory_space<vmem>>
        %dma_wait3A_49 = arith.constant 0 : i32
        %dma_wait3A_50 = arith.constant 0 : i32
        %dma_wait3A_51 = tpu.memref_slice %arg4[%dma_wait3A_49, %dma_wait3A_50] : memref<10240x16xf32, #tpu.memory_space<vmem_shared>> -> memref<10240x16xf32, #tpu.memory_space<vmem_shared>>
        tpu.wait_indirect_dma semaphore(%run_scoped3A_33 : memref<!tpu.dma_semaphore, #tpu.memory_space<semaphore_mem>>) src(%arg6 : memref<128x16xf32, #tpu.memory_space<vmem>>) dst(%dma_wait3A_51 : memref<10240x16xf32, #tpu.memory_space<vmem_shared>>)
        tpu.yield
      }) : () -> ()
      %run_scoped3A_27 = arith.constant 1 : i32
      %run_scoped3A_28 = arith.constant 1 : i32
      "tpu.region"() ({
        %run_scoped3A_33 = tpu.sem_alloc : memref<!tpu.dma_semaphore, #tpu.memory_space<semaphore_mem>>
        %dma_start3A = arith.constant 0 : i32
        %dma_start3A_34 = arith.constant 0 : i32
        %dma_start3A_35 = tpu.memref_slice %arg5[%run_scoped3A_27, %dma_start3A, %dma_start3A_34] : memref<4x2x128xi32, #tpu.memory_space<vmem>> -> memref<1x2x128xi32, #tpu.memory_space<vmem>>
        %dma_start3A_36 = tpu.memref_squeeze %dma_start3A_35 : memref<1x2x128xi32, #tpu.memory_space<vmem>> -> memref<2x128xi32, #tpu.memory_space<vmem>>
        %dma_start3A_37 = arith.constant 0 : i32
        %dma_start3A_38 = tpu.memref_slice %dma_start3A_36[%run_scoped3A_28, %dma_start3A_37] : memref<2x128xi32, #tpu.memory_space<vmem>> -> memref<1x128xi32, #tpu.memory_space<vmem>>
        %dma_start3A_39 = tpu.memref_squeeze %dma_start3A_38 : memref<1x128xi32, #tpu.memory_space<vmem>> -> memref<128xi32, #tpu.memory_space<vmem>>
        %dma_start3A_40 = arith.constant 0 : i32
        %dma_start3A_41 = arith.constant 0 : i32
        %dma_start3A_42 = tpu.memref_slice %arg4[%dma_start3A_40, %dma_start3A_41] : memref<10240x16xf32, #tpu.memory_space<vmem_shared>> -> memref<10240x16xf32, #tpu.memory_space<vmem_shared>>
        tpu.enqueue_indirect_dma source(%arg6 : memref<128x16xf32, #tpu.memory_space<vmem>>) target(%dma_start3A_42 : memref<10240x16xf32, #tpu.memory_space<vmem_shared>>) offsets(%dma_start3A_39 : memref<128xi32, #tpu.memory_space<vmem>>) semaphore(%run_scoped3A_33 : memref<!tpu.dma_semaphore, #tpu.memory_space<semaphore_mem>>) {add = true}
        %dma_wait3A = arith.constant 0 : i32
        %dma_wait3A_43 = arith.constant 0 : i32
        %dma_wait3A_44 = tpu.memref_slice %arg5[%run_scoped3A_27, %dma_wait3A, %dma_wait3A_43] : memref<4x2x128xi32, #tpu.memory_space<vmem>> -> memref<1x2x128xi32, #tpu.memory_space<vmem>>
        %dma_wait3A_45 = tpu.memref_squeeze %dma_wait3A_44 : memref<1x2x128xi32, #tpu.memory_space<vmem>> -> memref<2x128xi32, #tpu.memory_space<vmem>>
        %dma_wait3A_46 = arith.constant 0 : i32
        %dma_wait3A_47 = tpu.memref_slice %dma_wait3A_45[%run_scoped3A_28, %dma_wait3A_46] : memref<2x128xi32, #tpu.memory_space<vmem>> -> memref<1x128xi32, #tpu.memory_space<vmem>>
        %dma_wait3A_48 = tpu.memref_squeeze %dma_wait3A_47 : memref<1x128xi32, #tpu.memory_space<vmem>> -> memref<128xi32, #tpu.memory_space<vmem>>
        %dma_wait3A_49 = arith.constant 0 : i32
        %dma_wait3A_50 = arith.constant 0 : i32
        %dma_wait3A_51 = tpu.memref_slice %arg4[%dma_wait3A_49, %dma_wait3A_50] : memref<10240x16xf32, #tpu.memory_space<vmem_shared>> -> memref<10240x16xf32, #tpu.memory_space<vmem_shared>>
        tpu.wait_indirect_dma semaphore(%run_scoped3A_33 : memref<!tpu.dma_semaphore, #tpu.memory_space<semaphore_mem>>) src(%arg6 : memref<128x16xf32, #tpu.memory_space<vmem>>) dst(%dma_wait3A_51 : memref<10240x16xf32, #tpu.memory_space<vmem_shared>>)
        tpu.yield
      }) : () -> ()
      %run_scoped3A_29 = arith.constant 2 : i32
      %run_scoped3A_30 = arith.constant 1 : i32
      "tpu.region"() ({
        %run_scoped3A_33 = tpu.sem_alloc : memref<!tpu.dma_semaphore, #tpu.memory_space<semaphore_mem>>
        %dma_start3A = arith.constant 0 : i32
        %dma_start3A_34 = arith.constant 0 : i32
        %dma_start3A_35 = tpu.memref_slice %arg5[%run_scoped3A_29, %dma_start3A, %dma_start3A_34] : memref<4x2x128xi32, #tpu.memory_space<vmem>> -> memref<1x2x128xi32, #tpu.memory_space<vmem>>
        %dma_start3A_36 = tpu.memref_squeeze %dma_start3A_35 : memref<1x2x128xi32, #tpu.memory_space<vmem>> -> memref<2x128xi32, #tpu.memory_space<vmem>>
        %dma_start3A_37 = arith.constant 0 : i32
        %dma_start3A_38 = tpu.memref_slice %dma_start3A_36[%run_scoped3A_30, %dma_start3A_37] : memref<2x128xi32, #tpu.memory_space<vmem>> -> memref<1x128xi32, #tpu.memory_space<vmem>>
        %dma_start3A_39 = tpu.memref_squeeze %dma_start3A_38 : memref<1x128xi32, #tpu.memory_space<vmem>> -> memref<128xi32, #tpu.memory_space<vmem>>
        %dma_start3A_40 = arith.constant 0 : i32
        %dma_start3A_41 = arith.constant 0 : i32
        %dma_start3A_42 = tpu.memref_slice %arg4[%dma_start3A_40, %dma_start3A_41] : memref<10240x16xf32, #tpu.memory_space<vmem_shared>> -> memref<10240x16xf32, #tpu.memory_space<vmem_shared>>
        tpu.enqueue_indirect_dma source(%arg6 : memref<128x16xf32, #tpu.memory_space<vmem>>) target(%dma_start3A_42 : memref<10240x16xf32, #tpu.memory_space<vmem_shared>>) offsets(%dma_start3A_39 : memref<128xi32, #tpu.memory_space<vmem>>) semaphore(%run_scoped3A_33 : memref<!tpu.dma_semaphore, #tpu.memory_space<semaphore_mem>>) {add = true}
        %dma_wait3A = arith.constant 0 : i32
        %dma_wait3A_43 = arith.constant 0 : i32
        %dma_wait3A_44 = tpu.memref_slice %arg5[%run_scoped3A_29, %dma_wait3A, %dma_wait3A_43] : memref<4x2x128xi32, #tpu.memory_space<vmem>> -> memref<1x2x128xi32, #tpu.memory_space<vmem>>
        %dma_wait3A_45 = tpu.memref_squeeze %dma_wait3A_44 : memref<1x2x128xi32, #tpu.memory_space<vmem>> -> memref<2x128xi32, #tpu.memory_space<vmem>>
        %dma_wait3A_46 = arith.constant 0 : i32
        %dma_wait3A_47 = tpu.memref_slice %dma_wait3A_45[%run_scoped3A_30, %dma_wait3A_46] : memref<2x128xi32, #tpu.memory_space<vmem>> -> memref<1x128xi32, #tpu.memory_space<vmem>>
        %dma_wait3A_48 = tpu.memref_squeeze %dma_wait3A_47 : memref<1x128xi32, #tpu.memory_space<vmem>> -> memref<128xi32, #tpu.memory_space<vmem>>
        %dma_wait3A_49 = arith.constant 0 : i32
        %dma_wait3A_50 = arith.constant 0 : i32
        %dma_wait3A_51 = tpu.memref_slice %arg4[%dma_wait3A_49, %dma_wait3A_50] : memref<10240x16xf32, #tpu.memory_space<vmem_shared>> -> memref<10240x16xf32, #tpu.memory_space<vmem_shared>>
        tpu.wait_indirect_dma semaphore(%run_scoped3A_33 : memref<!tpu.dma_semaphore, #tpu.memory_space<semaphore_mem>>) src(%arg6 : memref<128x16xf32, #tpu.memory_space<vmem>>) dst(%dma_wait3A_51 : memref<10240x16xf32, #tpu.memory_space<vmem_shared>>)
        tpu.yield
      }) : () -> ()
      %run_scoped3A_31 = arith.constant 3 : i32
      %run_scoped3A_32 = arith.constant 1 : i32
      "tpu.region"() ({
        %run_scoped3A_33 = tpu.sem_alloc : memref<!tpu.dma_semaphore, #tpu.memory_space<semaphore_mem>>
        %dma_start3A = arith.constant 0 : i32
        %dma_start3A_34 = arith.constant 0 : i32
        %dma_start3A_35 = tpu.memref_slice %arg5[%run_scoped3A_31, %dma_start3A, %dma_start3A_34] : memref<4x2x128xi32, #tpu.memory_space<vmem>> -> memref<1x2x128xi32, #tpu.memory_space<vmem>>
        %dma_start3A_36 = tpu.memref_squeeze %dma_start3A_35 : memref<1x2x128xi32, #tpu.memory_space<vmem>> -> memref<2x128xi32, #tpu.memory_space<vmem>>
        %dma_start3A_37 = arith.constant 0 : i32
        %dma_start3A_38 = tpu.memref_slice %dma_start3A_36[%run_scoped3A_32, %dma_start3A_37] : memref<2x128xi32, #tpu.memory_space<vmem>> -> memref<1x128xi32, #tpu.memory_space<vmem>>
        %dma_start3A_39 = tpu.memref_squeeze %dma_start3A_38 : memref<1x128xi32, #tpu.memory_space<vmem>> -> memref<128xi32, #tpu.memory_space<vmem>>
        %dma_start3A_40 = arith.constant 0 : i32
        %dma_start3A_41 = arith.constant 0 : i32
        %dma_start3A_42 = tpu.memref_slice %arg4[%dma_start3A_40, %dma_start3A_41] : memref<10240x16xf32, #tpu.memory_space<vmem_shared>> -> memref<10240x16xf32, #tpu.memory_space<vmem_shared>>
        tpu.enqueue_indirect_dma source(%arg6 : memref<128x16xf32, #tpu.memory_space<vmem>>) target(%dma_start3A_42 : memref<10240x16xf32, #tpu.memory_space<vmem_shared>>) offsets(%dma_start3A_39 : memref<128xi32, #tpu.memory_space<vmem>>) semaphore(%run_scoped3A_33 : memref<!tpu.dma_semaphore, #tpu.memory_space<semaphore_mem>>) {add = true}
        %dma_wait3A = arith.constant 0 : i32
        %dma_wait3A_43 = arith.constant 0 : i32
        %dma_wait3A_44 = tpu.memref_slice %arg5[%run_scoped3A_31, %dma_wait3A, %dma_wait3A_43] : memref<4x2x128xi32, #tpu.memory_space<vmem>> -> memref<1x2x128xi32, #tpu.memory_space<vmem>>
        %dma_wait3A_45 = tpu.memref_squeeze %dma_wait3A_44 : memref<1x2x128xi32, #tpu.memory_space<vmem>> -> memref<2x128xi32, #tpu.memory_space<vmem>>
        %dma_wait3A_46 = arith.constant 0 : i32
        %dma_wait3A_47 = tpu.memref_slice %dma_wait3A_45[%run_scoped3A_32, %dma_wait3A_46] : memref<2x128xi32, #tpu.memory_space<vmem>> -> memref<1x128xi32, #tpu.memory_space<vmem>>
        %dma_wait3A_48 = tpu.memref_squeeze %dma_wait3A_47 : memref<1x128xi32, #tpu.memory_space<vmem>> -> memref<128xi32, #tpu.memory_space<vmem>>
        %dma_wait3A_49 = arith.constant 0 : i32
        %dma_wait3A_50 = arith.constant 0 : i32
        %dma_wait3A_51 = tpu.memref_slice %arg4[%dma_wait3A_49, %dma_wait3A_50] : memref<10240x16xf32, #tpu.memory_space<vmem_shared>> -> memref<10240x16xf32, #tpu.memory_space<vmem_shared>>
        tpu.wait_indirect_dma semaphore(%run_scoped3A_33 : memref<!tpu.dma_semaphore, #tpu.memory_space<semaphore_mem>>) src(%arg6 : memref<128x16xf32, #tpu.memory_space<vmem>>) dst(%dma_wait3A_51 : memref<10240x16xf32, #tpu.memory_space<vmem_shared>>)
        tpu.yield
      }) : () -> ()
    }
    %scan3A_16 = arith.constant 20 : i32
    %barrier3A_17 = arith.constant 0 : index
    tpu.barrier barrier_id(%barrier3A_17)
    "tpu.region"() ({
      %run_scoped3A = tpu.sem_alloc : memref<!tpu.dma_semaphore, #tpu.memory_space<semaphore_mem>>
      %dma_start3A = arith.constant 0 : i32
      %dma_start3A_18 = arith.constant 0 : i32
      %dma_start3A_19 = tpu.memref_slice %arg3[%arg0, %dma_start3A, %dma_start3A_18] : memref<2x10240x16xf32, #tpu.memory_space<hbm>> -> memref<1x10240x16xf32, #tpu.memory_space<hbm>>
      %dma_start3A_20 = tpu.memref_squeeze %dma_start3A_19 : memref<1x10240x16xf32, #tpu.memory_space<hbm>> -> memref<10240x16xf32, #tpu.memory_space<hbm>>
      %dma_start3A_21 = arith.constant 0 : i32
      %dma_start3A_22 = tpu.memref_slice %dma_start3A_20[%mul3A_2, %dma_start3A_21] : memref<10240x16xf32, #tpu.memory_space<hbm>> -> memref<640x16xf32, #tpu.memory_space<hbm>>
      %dma_start3A_23 = arith.constant 0 : i32
      %dma_start3A_24 = tpu.memref_slice %arg4[%mul3A_2, %dma_start3A_23] : memref<10240x16xf32, #tpu.memory_space<vmem_shared>> -> memref<640x16xf32, #tpu.memory_space<vmem_shared>>
      tpu.enqueue_dma source(%dma_start3A_24 : memref<640x16xf32, #tpu.memory_space<vmem_shared>>) target(%dma_start3A_22 : memref<640x16xf32, #tpu.memory_space<hbm>>) target_semaphore(%run_scoped3A : memref<!tpu.dma_semaphore, #tpu.memory_space<semaphore_mem>>)
      %dma_wait3A = arith.constant 0 : i32
      %dma_wait3A_25 = arith.constant 0 : i32
      %dma_wait3A_26 = tpu.memref_slice %arg3[%arg0, %dma_wait3A, %dma_wait3A_25] : memref<2x10240x16xf32, #tpu.memory_space<hbm>> -> memref<1x10240x16xf32, #tpu.memory_space<hbm>>
      %dma_wait3A_27 = tpu.memref_squeeze %dma_wait3A_26 : memref<1x10240x16xf32, #tpu.memory_space<hbm>> -> memref<10240x16xf32, #tpu.memory_space<hbm>>
      %dma_wait3A_28 = arith.constant 0 : i32
      %dma_wait3A_29 = tpu.memref_slice %dma_wait3A_27[%mul3A_2, %dma_wait3A_28] : memref<10240x16xf32, #tpu.memory_space<hbm>> -> memref<640x16xf32, #tpu.memory_space<hbm>>
      %dma_wait3A_30 = arith.constant 0 : i32
      %dma_wait3A_31 = tpu.memref_slice %arg4[%mul3A_2, %dma_wait3A_30] : memref<10240x16xf32, #tpu.memory_space<vmem_shared>> -> memref<640x16xf32, #tpu.memory_space<vmem_shared>>
      tpu.wait_dma2 semaphore(%run_scoped3A : memref<!tpu.dma_semaphore, #tpu.memory_space<semaphore_mem>>) src(%dma_wait3A_31 : memref<640x16xf32, #tpu.memory_space<vmem_shared>>) dst(%dma_wait3A_29 : memref<640x16xf32, #tpu.memory_space<hbm>>)
      tpu.yield
    }) : () -> ()
    return
  }
}

module attributes {stable_mosaic.version = 14 : i64} {
  func.func @prep_body(%arg0: i32, %arg1: memref<1000x128xf32, #tpu.memory_space<vmem>>, %arg2: memref<128x128xf32, #tpu.memory_space<vmem>>, %arg3: memref<2x1000x16xf32, #tpu.memory_space<vmem>>, %arg4: memref<1000x128xf32, #tpu.memory_space<vmem>>) attributes {dimension_semantics = [#tpu.dimension_semantics<arbitrary>], iteration_bounds = array<i64: 10>, scalar_prefetch = 0 : i64, scratch_operands = 0 : i64, tpu.core_type = #tpu.core_type<tc>, window_params = [{transform_indices = @transform_0, window_bounds = array<i64: 1000, 128>}, {pipeline_mode = #tpu.pipeline_mode<synchronous>, transform_indices = @transform_1, window_bounds = array<i64: 128, 128>}, {transform_indices = @transform_2, window_bounds = array<i64: 2, 1000, 16>}, {transform_indices = @transform_3, window_bounds = array<i64: 1000, 128>}]} {
    %get3A = arith.constant 0 : index
    %get3A_0 = arith.constant 0 : index
    %get3A_1 = vector.load %arg1[%get3A, %get3A_0] : memref<1000x128xf32, #tpu.memory_space<vmem>>, vector<1000x128xf32>
    %get3A_2 = arith.constant 0 : index
    %get3A_3 = arith.constant 0 : index
    %get3A_4 = vector.load %arg2[%get3A_2, %get3A_3] : memref<128x128xf32, #tpu.memory_space<vmem>>, vector<128x128xf32>
    %dot_general3A = arith.constant dense<0.000000e+00> : vector<1000x128xf32>
    %dot_general3A_5 = tpu.matmul %get3A_1, %get3A_4, %dot_general3A {dimension_numbers = #tpu.dot_dimension_numbers<[1], [0], [0], [1], [0, 0, 1, 1], [], []>, precision = #tpu.contract_precision<fp32>, transpose_lhs_hint = false} : vector<1000x128xf32>, vector<128x128xf32>, vector<1000x128xf32> -> vector<1000x128xf32>
    %get3A_6 = arith.constant 0 : index
    %get3A_7 = arith.constant 0 : index
    %get3A_8 = arith.constant 0 : index
    %get3A_9 = vector.load %arg3[%get3A_6, %get3A_7, %get3A_8] : memref<2x1000x16xf32, #tpu.memory_space<vmem>>, vector<1x1000x1xf32>
    %get3A_10 = vector.shape_cast %get3A_9 : vector<1x1000x1xf32> to vector<1000xf32>
    %get3A_11 = arith.constant 1 : index
    %get3A_12 = arith.constant 0 : index
    %get3A_13 = arith.constant 0 : index
    %get3A_14 = vector.load %arg3[%get3A_11, %get3A_12, %get3A_13] : memref<2x1000x16xf32, #tpu.memory_space<vmem>>, vector<1x1000x1xf32>
    %get3A_15 = vector.shape_cast %get3A_14 : vector<1x1000x1xf32> to vector<1000xf32>
    %add3A = arith.addf %get3A_10, %get3A_15 : vector<1000xf32>
    %add3A_16 = arith.constant 1.000000e+00 : f32
    %add3A_17 = vector.broadcast %add3A_16 : f32 to vector<1000xf32>
    %add3A_18 = arith.addf %add3A, %add3A_17 : vector<1000xf32>
    %rsqrt3A = math.rsqrt %add3A_18 : vector<1000xf32>
    %broadcast_in_dim3A = vector.shape_cast %rsqrt3A : vector<1000xf32> to vector<1000x1xf32>
    %mul3A = vector.broadcast %broadcast_in_dim3A : vector<1000x1xf32> to vector<1000x128xf32>
    %mul3A_19 = arith.mulf %dot_general3A_5, %mul3A : vector<1000x128xf32>
    %swap3A = arith.constant 0 : index
    %swap3A_20 = arith.constant 0 : index
    %swap3A_21 = vector.load %arg4[%swap3A, %swap3A_20] : memref<1000x128xf32, #tpu.memory_space<vmem>>, vector<1000x128xf32>
    tpu.vector_store %arg4[%swap3A, %swap3A_20], %mul3A_19 {strides = array<i32>} : memref<1000x128xf32, #tpu.memory_space<vmem>>, vector<1000x128xf32>,
    return
  }
  func.func @transform_0(%arg0: i32) -> (i32, i32) {
    %c0_i32 = arith.constant 0 : i32
    %c0_i32_0 = arith.constant 0 : i32
    return %arg0, %c0_i32 : i32, i32
  }
  func.func @transform_1(%arg0: i32) -> (i32, i32) {
    %c0_i32 = arith.constant 0 : i32
    %c0_i32_0 = arith.constant 0 : i32
    %c0_i32_1 = arith.constant 0 : i32
    return %c0_i32, %c0_i32_0 : i32, i32
  }
  func.func @transform_2(%arg0: i32) -> (i32, i32, i32) {
    %c0_i32 = arith.constant 0 : i32
    %c0_i32_0 = arith.constant 0 : i32
    %c0_i32_1 = arith.constant 0 : i32
    return %c0_i32, %arg0, %c0_i32_0 : i32, i32, i32
  }
  func.func @transform_3(%arg0: i32) -> (i32, i32) {
    %c0_i32 = arith.constant 0 : i32
    %c0_i32_0 = arith.constant 0 : i32
    return %arg0, %c0_i32 : i32, i32
  }
}

module attributes {stable_mosaic.version = 14 : i64} {
  func.func @final_body(%arg0: i32, %arg1: memref<2x1000x16xf32, #tpu.memory_space<vmem>>, %arg2: memref<2x1000x128xf32, #tpu.memory_space<vmem>>, %arg3: memref<1000x128xf32, #tpu.memory_space<vmem>>, %arg4: memref<1x128xf32, #tpu.memory_space<vmem>>, %arg5: memref<1000x128xf32, #tpu.memory_space<vmem>>) attributes {dimension_semantics = [#tpu.dimension_semantics<arbitrary>], iteration_bounds = array<i64: 10>, scalar_prefetch = 0 : i64, scratch_operands = 0 : i64, tpu.core_type = #tpu.core_type<tc>, window_params = [{transform_indices = @transform_0, window_bounds = array<i64: 2, 1000, 16>}, {transform_indices = @transform_1, window_bounds = array<i64: 2, 1000, 128>}, {transform_indices = @transform_2, window_bounds = array<i64: 1000, 128>}, {pipeline_mode = #tpu.pipeline_mode<synchronous>, transform_indices = @transform_3, window_bounds = array<i64: 1, 128>}, {transform_indices = @transform_4, window_bounds = array<i64: 1000, 128>}]} {
    %get3A = arith.constant 0 : index
    %get3A_0 = arith.constant 0 : index
    %get3A_1 = arith.constant 0 : index
    %get3A_2 = vector.load %arg1[%get3A, %get3A_0, %get3A_1] : memref<2x1000x16xf32, #tpu.memory_space<vmem>>, vector<1x1000x1xf32>
    %get3A_3 = vector.shape_cast %get3A_2 : vector<1x1000x1xf32> to vector<1000xf32>
    %get3A_4 = arith.constant 1 : index
    %get3A_5 = arith.constant 0 : index
    %get3A_6 = arith.constant 0 : index
    %get3A_7 = vector.load %arg1[%get3A_4, %get3A_5, %get3A_6] : memref<2x1000x16xf32, #tpu.memory_space<vmem>>, vector<1x1000x1xf32>
    %get3A_8 = vector.shape_cast %get3A_7 : vector<1x1000x1xf32> to vector<1000xf32>
    %add3A = arith.addf %get3A_3, %get3A_8 : vector<1000xf32>
    %add3A_9 = arith.constant 1.000000e+00 : f32
    %add3A_10 = vector.broadcast %add3A_9 : f32 to vector<1000xf32>
    %add3A_11 = arith.addf %add3A, %add3A_10 : vector<1000xf32>
    %get3A_12 = arith.constant 0 : index
    %get3A_13 = arith.constant 0 : index
    %get3A_14 = arith.constant 0 : index
    %get3A_15 = vector.load %arg2[%get3A_12, %get3A_13, %get3A_14] : memref<2x1000x128xf32, #tpu.memory_space<vmem>>, vector<1x1000x128xf32>
    %get3A_16 = vector.shape_cast %get3A_15 : vector<1x1000x128xf32> to vector<1000x128xf32>
    %get3A_17 = arith.constant 1 : index
    %get3A_18 = arith.constant 0 : index
    %get3A_19 = arith.constant 0 : index
    %get3A_20 = vector.load %arg2[%get3A_17, %get3A_18, %get3A_19] : memref<2x1000x128xf32, #tpu.memory_space<vmem>>, vector<1x1000x128xf32>
    %get3A_21 = vector.shape_cast %get3A_20 : vector<1x1000x128xf32> to vector<1000x128xf32>
    %add3A_22 = arith.addf %get3A_16, %get3A_21 : vector<1000x128xf32>
    %get3A_23 = arith.constant 0 : index
    %get3A_24 = arith.constant 0 : index
    %get3A_25 = vector.load %arg3[%get3A_23, %get3A_24] : memref<1000x128xf32, #tpu.memory_space<vmem>>, vector<1000x128xf32>
    %add3A_26 = arith.addf %add3A_22, %get3A_25 : vector<1000x128xf32>
    %rsqrt3A = math.rsqrt %add3A_11 : vector<1000xf32>
    %broadcast_in_dim3A = vector.shape_cast %rsqrt3A : vector<1000xf32> to vector<1000x1xf32>
    %mul3A = vector.broadcast %broadcast_in_dim3A : vector<1000x1xf32> to vector<1000x128xf32>
    %mul3A_27 = arith.mulf %add3A_26, %mul3A : vector<1000x128xf32>
    %get3A_28 = arith.constant 0 : index
    %get3A_29 = arith.constant 0 : index
    %get3A_30 = vector.load %arg4[%get3A_28, %get3A_29] : memref<1x128xf32, #tpu.memory_space<vmem>>, vector<1x128xf32>
    %add3A_31 = vector.broadcast %get3A_30 : vector<1x128xf32> to vector<1000x128xf32>
    %add3A_32 = arith.addf %mul3A_27, %add3A_31 : vector<1000x128xf32>
    %swap3A = arith.constant 0 : index
    %swap3A_33 = arith.constant 0 : index
    %swap3A_34 = vector.load %arg5[%swap3A, %swap3A_33] : memref<1000x128xf32, #tpu.memory_space<vmem>>, vector<1000x128xf32>
    tpu.vector_store %arg5[%swap3A, %swap3A_33], %add3A_32 {strides = array<i32>} : memref<1000x128xf32, #tpu.memory_space<vmem>>, vector<1000x128xf32>,
    return
  }
  func.func @transform_0(%arg0: i32) -> (i32, i32, i32) {
    %c0_i32 = arith.constant 0 : i32
    %c0_i32_0 = arith.constant 0 : i32
    %c0_i32_1 = arith.constant 0 : i32
    return %c0_i32, %arg0, %c0_i32_0 : i32, i32, i32
  }
  func.func @transform_1(%arg0: i32) -> (i32, i32, i32) {
    %c0_i32 = arith.constant 0 : i32
    %c0_i32_0 = arith.constant 0 : i32
    %c0_i32_1 = arith.constant 0 : i32
    return %c0_i32, %arg0, %c0_i32_0 : i32, i32, i32
  }
  func.func @transform_2(%arg0: i32) -> (i32, i32) {
    %c0_i32 = arith.constant 0 : i32
    %c0_i32_0 = arith.constant 0 : i32
    return %arg0, %c0_i32 : i32, i32
  }
  func.func @transform_3(%arg0: i32) -> (i32, i32) {
    %c0_i32 = arith.constant 0 : i32
    %c0_i32_0 = arith.constant 0 : i32
    %c0_i32_1 = arith.constant 0 : i32
    return %c0_i32, %c0_i32_0 : i32, i32
  }
  func.func @transform_4(%arg0: i32) -> (i32, i32) {
    %c0_i32 = arith.constant 0 : i32
    %c0_i32_0 = arith.constant 0 : i32
    return %arg0, %c0_i32 : i32, i32
  }
}

</mosaic_0001>

<sc_bundles>
// kernel: kernel.6.cloned.1.call-start
scs
__scs_entry_jumppad:
0x0: {  	(pc) =	sbr.rel $0x88, $3  }
0x1: {  	(tag) =	ssettag $0x0;
	lr =	simm.s32 $0x1  }
0x2: {  	[smem:$0x3F9D] =	sst lr;
	_ =	strace $0xD0000000  }
0x3: {  	_ = 	snop  }
0x4: {  	_ = 	snop  }
0x5: {  	_ = 	snop  }
0x6: {  	_ = 	snop  }
0x7: {  	_ = 	snop  }
__scs_overlays_trampoline_lowered:
0x8: {  	[smem:$0x3FAC] =	sst s0  }
0x9: {  	[smem:$0x3FAD] =	sst s1  }
0xa: {  	[smem:$0x3FAE] =	sst s2  }
0xb: {  	[smem:$0x3FAF] =	sst s3  }
0xc: {  	[smem:$0x3FB0] =	sst s4  }
0xd: {  	[smem:$0x3FB1] =	sst s5  }
0xe: {  	[smem:$0x3FB2] =	sst s6  }
0xf: {  	[smem:$0x3FB3] =	sst s7  }
0x10: {  	[smem:$0x3FB4] =	sst s8  }
0x11: {  	[smem:$0x3FB5] =	sst s9;
	s0 =	simm.s32 @!p0 $0x0  }
0x12: {  	s1 =	sld [smem:$0x3F9B];
	s0 =	simm.s32 @p0 $0x1  }
0x13: {  	[smem:$0x3FB6] =	sst s0;
	s0 =	simm.s32 @!p1 $0x0  }
0x14: {  	s2 =	sld [smem:$0x3F9A];
	s0 =	simm.s32 @p1 $0x1  }
0x15: {  	[smem:$0x3FB7] =	sst s0;
	s0 =	simm.s32 @!p2 $0x0  }
0x16: {  	s3 =	sld [smem:$0x3FDB];
	s0 =	simm.s32 @p2 $0x1  }
0x17: {  	s4 =	simm.s32 $0x1BF5;
	[smem:$0x3FB9] =	sst s0  }
0x18: {  	s0 =	sld [smem:$0x3F9C];
	_ =	swait.ge [sflag:s4], $0x0  }
0x19: {  	s7 =	sld [smem:$0x3F9D]  }
0x1a: {  	s8 =	sadd.s32 $0xFFFFE003, lr  }
0x1b: {  	s9 =	sadd.s32 $0xFFFFFEF7, lr;
	s5 =	simm.s32 $0xFFFFFFFF;
	p2 =	slt.u32 s8, $0xFFFFF086  }
0x1c: {  	p1 =	slt.u32 s9, $0xF7A;
	s5 =	simm.s32 @!p2 $0x0  }
0x1d: {  	s5 =	simm.s32 @p1 $0x1;
	p0 =	seq.s32 s7, s2  }
0x1e: {  	s7 =	smul.u32 @!p0 $0xF7A, s2;
	p2 =	seq.s32 @!p0 s5, $0x0  }
0x1f: {  	s9 =	smul.u32 $0xF7A, s1;
	s8 =	simm.s32 @!p0 $0x1BF5;
	p2 =	por !p2, p0  }
0x20: {  	[sflag:s8] =	ssyncset.s32 @!p0 $0xFFFFF086;
	s6 =	sadd.s32 @!p0 s3, s7;
	s7 =	simm.s32 @!p0 $0x108  }
0x21: {  	s3 =	sadd.s32 s3, s9;
	s6 =	sadd.s32 @!p0 $0x88, s6;
	s7 =	simm.s32 @p2 $0x1082  }
0x22: {  	[simem:s7], [sflag:s8] =	dma.local @!p0 [hbm:s6], $0xF7A  }
0x23: {  	s9 =	sor.u32 $0xD0000000, s2;
	s6 =	simm.s32 $0x108;
	_ =	swait.ge @!p0 [sflag:s8], $0x0  }
0x24: {  	s3 =	sadd.s32 $0x88, s3;
	s6 =	simm.s32 @!p1 $0x1082;
	[sflag:s4] =	ssyncset.s32 $0xFFFFF086  }
0x25: {  	[simem:s6], [sflag:s4] =	dma.local [hbm:s3], $0xF7A  }
0x26: {  	[smem:$0x3F9D] =	sst s1;
	(tag) =	ssettag s2;
	_ =	strace s9  }
0x27: {  	s1 =	sld [smem:$0x3FAD]  }
0x28: {  	s2 =	sld [smem:$0x3FAE]  }
0x29: {  	s4 =	sld [smem:$0x3FB0]  }
0x2a: {  	p0 =	seq.s32 s5, $0x0;
	s5 =	sld [smem:$0x3FB1]  }
0x2b: {  	s6 =	sld [smem:$0x3FB2]  }
0x2c: {  	s7 =	sld [smem:$0x3FB3]  }
0x2d: {  	s3 =	simm.s32 $0x108;
	s8 =	sld [smem:$0x3FB4]  }
0x2e: {  	s3 =	simm.s32 @!p0 $0x1082;
	s9 =	sld [smem:$0x3FB5]  }
0x2f: {  	lr =	sadd.s32 s0, s3;
	s0 =	sld [smem:$0x3FAC]  }
0x30: {  	s3 =	sld [smem:$0x3FAF]  }
0x31: {  	[smem:$0x3FB8] =	sst s10  }
0x32: {  	s10 =	sld [smem:$0x3FB6];
	_ =	sdelay $0x3  }
0x33: {  	p0 =	seq.s32 s10, $0x1;
	s10 =	sld [smem:$0x3FB8];
	_ =	sdelay $0x3  }
0x34: {  	[smem:$0x3FB8] =	sst s10  }
0x35: {  	s10 =	sld [smem:$0x3FB7];
	_ =	sdelay $0x3  }
0x36: {  	p1 =	seq.s32 s10, $0x1;
	s10 =	sld [smem:$0x3FB8];
	_ =	sdelay $0x3  }
0x37: {  	[smem:$0x3FB8] =	sst s10  }
0x38: {  	s10 =	sld [smem:$0x3FB9]  }
0x39: {  	_ = 	snop;
	(pc) =	sbr.ind lr, $3  }
0x3a: {  	_ = 	snop  }
0x3b: {  	_ = 	snop  }
0x3c: {  	p2 =	seq.s32 s10, $0x1;
	s10 =	sld [smem:$0x3FB8]  }
0x3d: {  	_ =	shalt  }
0x3e: {  	_ =	shalt  }
0x3f: {  	_ =	shalt  }
0x40: {  	_ =	shalt  }
0x41: {  	_ =	shalt  }
0x42: {  	_ =	shalt  }
0x43: {  	_ =	shalt  }
0x44: {  	_ =	shalt  }
0x45: {  	_ =	shalt  }
0x46: {  	_ =	shalt  }
0x47: {  	_ =	shalt  }
0x48: {  	_ =	shalt  }
0x49: {  	_ =	shalt  }
0x4a: {  	_ =	shalt  }
0x4b: {  	_ =	shalt  }
0x4c: {  	_ =	shalt  }
0x4d: {  	_ =	shalt  }
0x4e: {  	_ =	shalt  }
0x4f: {  	_ =	shalt  }
0x50: {  	_ =	shalt  }
0x51: {  	_ =	shalt  }
0x52: {  	_ =	shalt  }
0x53: {  	_ =	shalt  }
0x54: {  	_ =	shalt  }
0x55: {  	_ =	shalt  }
0x56: {  	_ =	shalt  }
0x57: {  	_ =	shalt  }
0x58: {  	_ =	shalt  }
0x59: {  	_ =	shalt  }
0x5a: {  	_ =	shalt  }
0x5b: {  	_ =	shalt  }
0x5c: {  	_ =	shalt  }
0x5d: {  	_ =	shalt  }
0x5e: {  	_ =	shalt  }
0x5f: {  	_ =	shalt  }
0x60: {  	_ =	shalt  }
0x61: {  	_ =	shalt  }
0x62: {  	_ =	shalt  }
0x63: {  	_ =	shalt  }
0x64: {  	_ =	shalt  }
0x65: {  	_ =	shalt  }
0x66: {  	_ =	shalt  }
0x67: {  	_ =	shalt  }
0x68: {  	_ =	shalt  }
0x69: {  	_ =	shalt  }
0x6a: {  	_ =	shalt  }
0x6b: {  	_ =	shalt  }
0x6c: {  	_ =	shalt  }
0x6d: {  	_ =	shalt  }
0x6e: {  	_ =	shalt  }
0x6f: {  	_ =	shalt  }
0x70: {  	_ =	shalt  }
0x71: {  	_ =	shalt  }
0x72: {  	_ =	shalt  }
0x73: {  	_ =	shalt  }
0x74: {  	_ =	shalt  }
0x75: {  	_ =	shalt  }
0x76: {  	_ =	shalt  }
0x77: {  	_ =	shalt  }
0x78: {  	_ =	shalt  }
0x79: {  	_ =	shalt  }
0x7a: {  	_ =	shalt  }
0x7b: {  	_ =	shalt  }
0x7c: {  	_ =	shalt  }
0x7d: {  	_ =	shalt  }
0x7e: {  	_ =	shalt  }
0x7f: {  	_ =	shalt  }
0x80: {  	_ =	shalt  }
0x81: {  	_ =	shalt  }
0x82: {  	_ =	shalt  }
0x83: {  	_ =	shalt  }
0x84: {  	_ =	shalt  }
0x85: {  	_ =	shalt  }
0x86: {  	_ =	shalt  }
0x87: {  	_ =	shalt  }
.Lfunc_end0:
.L_simem_size_0:
called_computation_lowered:
.L_overlay_start_0:
0x88: {  	s2 =	sld [smem:$0x3FD9]  }
0x89: {  	s3 =	sld [smem:$0x3FFE];
	_ =	sdelay $0x1  }
0x8a: {  	s1 =	srdreg.scid  }
0x8b: {  	s0 =	sand.u32 $0x1, s1  }
0x8c: {  	s16 =	sshll.u32 s0, $0xA;
	s2 =	sadd.s32 s3, s2  }
0x8d: {  	s2 =	sadd.s32 s2, s16  }
0x8e: {  	[smem:$0x3FC4] =	sst s2  }
0x8f: {  	_ = 	snop  }
0x90: {  	(tm) =	ssettm $0x1  }
0x91: {  	s17 =	sld [smem:$0x3FFB];
	_ =	sdelay $0x3  }
0x92: {  	_ =	strace s17  }
0x93: {  	s2 =	sld [smem:$0x3FFC];
	_ =	sdelay $0x3  }
0x94: {  	_ =	strace s2  }
0x95: {  	s2 =	sld [smem:$0x3FFD];
	_ =	sdelay $0x3  }
0x96: {  	_ =	strace s2  }
0x97: {  	_ =	strace $0x8FFFFFFF  }
0x98: {  	s18 =	sld [smem:$0x3FDB];
	_ =	sdelay $0x1  }
0x99: {  	s19 =	simm.s32 $_scs_section_size  }
0x9a: {  	s4 =	simm.s32 $_size__tile_overlayer_lowered;
	s5 =	simm.s32 $_tile_overlayer_lowered  }
0x9b: {  	s22 =	simm.s32 $0x1BFF;
	s21 =	sshll.u32 s5, $0x1;
	s2 =	sadd.s32 s19, s18  }
0x9c: {  	s6 =	simm.s32 $0x0;
	s20 =	sshll.u32 s4, $0x1;
	s4 =	sadd.s32 s21, s2  }
0x9d: {  	[timem:s6], [sflag:s22] =	dma.local [hbm:s4], s20  }
0x9e: {  	_ =	swait.ge [sflag:s22], s20  }
0x9f: {  	s3 =	ssub.s32 $0x0, s20;
	[sflag:s22] =	ssyncset.done $0x0  }
0xa0: {  	[sflag:s22] =	ssyncadd.s32 s3;
	_ =	sdelay $0x1  }
0xa1: {  	s23 =	simm.s32 $0x1B8B  }
0xa2: {  	_ =	swait.ge [sflag:s23], $0x1  }
0xa3: {  	[sflag:s23] =	ssyncset.done $0x0  }
0xa4: {  	s25 =	simm.s32 $0x1B8E;
	s24 =	sld [smem:$0x3FFE];
	[sflag:s23] =	ssyncadd.s32 $0xFFFFFFFF  }
0xa5: {  	s26 =	simm.s32 $execute0_lowered;
	[smem:$0x3FD2] =	sst s25  }
0xa6: {  	s4 =	sshll.u32 s26, $0x1;
	_ =	strace $0x80000046;
	[dreg:$0x1] =	wrdreg $0xFFFFFFFF  }
0xa7: {  	s28 =	simm.s32 $_size_execute0_lowered;
	s2 =	sadd.s32 s2, s4;
	[dreg:$0x0] =	wrdreg $0x0  }
0xa8: {  	s4 =	sshll.u32 s28, $0x1;
	[dreg:$0x2] =	wrdreg s2  }
0xa9: {  	[dreg:$0x3] =	wrdreg s4  }
0xaa: {  	[dreg:$0x4] =	wrdreg $0xC0  }
0xab: {  	_ =	task [dreg:s6], $0x5FFFF  }
0xac: {  	[dreg:$0x1] =	wrdreg $0xFFFFFFFF  }
0xad: {  	[dreg:$0x0] =	wrdreg $0x60  }
0xae: {  	[dreg:$0x2] =	wrdreg s24  }
0xaf: {  	[dreg:$0x3] =	wrdreg $0x0  }
0xb0: {  	[dreg:$0x4] =	wrdreg $0x9  }
0xb1: {  	_ =	task.clear_ibuf [dreg:s6], $0x5FFFF;
	_ =	strace $0x90000046  }
0xb2: {  	s29 =	simm.s32 $0x9;
	_ =	strace $0x80000048  }
0xb3: {  	_ =	swait.ge [sflag:s29], $0x1  }
0xb4: {  	[sflag:s29] =	ssyncadd.s32 $0xFFFFFFFF  }
0xb5: {  	_ =	strace $0x90000048  }
0xb6: {  	_ =	sfence  }
0xb7: {  	s30 =	sld [smem:$0x0];
	_ =	sdelay $0x2  }
0xb8: {  	s31 =	sshll.u32 s1, $0xD;
	s1 =	sshrl.u32 s1, $0x2  }
0xb9: {  	s3 =	sand.u32 $0x4000, s31;
	s1 =	sadd.s32 s1, s30  }
0xba: {  	s0 =	sor.u32 s3, s0;
	s1 =	sshll.u32 s1, $0x11  }
0xbb: {  	s0 =	sor.u32 s1, s0  }
0xbc: {  	s0 =	sadd.s32 $0x8F2B, s0  }
0xbd: {  	[sflag:s0] =	ssyncadd.remote.s32 $0x1  }
0xbe: {  	_ =	sfence.sel $0xFFFF  }
0xbf: {  	[dreg:$0x0] =	wrdreg $0xFFFFFFFF;
	(pc) =	sbr.abs _section_cstart, $3  }
0xc0: {  	[dreg:$0x1] =	wrdreg $0xFFFFFFFF  }
0xc1: {  	_ =	task.clear_ibuf [dreg:s6], $0x2FFFF;
	_ =	strace $0x9FFFFFFF  }
0xc2: {  	(tm) =	ssettm $0x7FFFFFFF  }
0xc3: {  	_ =	shalt  }
tec
execute0_lowered:
.L_overlay_start_1:
0x0: {  	(tag) =	ssettag $0x1  }
0x1: {  	s4 =	rddreg [dreg:$0x0]  }
0x2: {  	s2 =	rddreg [dreg:$0x1]  }
0x3: {  	s0 =	srdreg.scid;
	s1 =	rddreg [dreg:$0x2];
	s3 =	simm.s32 $0x0  }
0x4: {  	s11 =	simm.s32 $0x6C00;
	s12 =	simm.s32 $0x1;
	s13 =	simm.s32 $0x2800  }
0x5: {  	s14 =	simm.s32 $0x80;
	s15 =	simm.s32 $0x2880;
	s5 =	sand.u32 $0x1, s0  }
0x6: {  	s16 =	simm.s32 $0x2C00;
	s0 =	stileid.u32;
	s6 =	smul.u32 $0x50000, s5  }
0x7: {  	s17 =	simm.s32 $0x2980;
	s18 =	simm.s32 $0x2A80;
	s7 =	smul.u32 $0x5000, s0  }
0x8: {  	s19 =	simm.s32 $0x2B80;
	[smem:$0x7FF] =	sst s3;
	s26 =	smul.u32 $0x28000, s5  }
0x9: {  	s23 =	simm.s32 $0x0;
	s8 =	smul.u32 $0x50000, s0;
	_ =	strace $0x80000047  }
0xa: {  	s5 =	ssub.s32 $0x2, s5;
	s21 =	smul.u32 $0x2800, s0;
	s31 =	sshll.u32 s0, $0x6  }
0xb: {  	s29 =	sshrl.u32 s5, $0x1;
	s6 =	sadd.s32 s7, s6;
	s28 =	sadd.s32 s26, s4  }
0xc: {  	s30 =	sshrl.u32 s8, $0x2;
	s5 =	ssub.s32 s5, s29;
	s6 =	sshrl.u32 s6, $0x3  }
0xd: {  	s20 =	sadd.s32 $0x15400, s28;
	s5 =	smax.u32 s5, $0x1;
	s10 =	sadd.s32 s6, s4  }
0xe: {  	s4 =	sadd.s32 s30, s2;
	s20 =	sadd.s32 s21, s20;
	s21 =	sor.u32 $0x1C01, s31  }
0xf: {  	s6 =	sadd.s32 $0x4000, s4;
	s7 =	sadd.s32 $0x8000, s4;
	s8 =	sadd.s32 $0xC000, s4  }
0x10: {  	v0 =	vimm.f32 $0.0e+00;
	v1 =	vimm.f32 $1.000000000e+00;
	s9 =	sadd.s32 $0x10000, s4;
	s10 =	sadd.s32 $0x1400, s10;
	s22 =	sshrl.u32 s4, $0x3  }
.LBB2_1:
0x11: {  	s24 =	simm.s32 $0x200;
	s25 =	simm.s32 $0x0  }
.LBB2_2:
0x12: {  	p0 =	sne.s32 s24, $0xFE00;
	[tilespmem:s25+$0x6C00] =	vst v0;
	s26 =	smov.u32 s24;
	s24 =	sadd.s32 $0x200, s24  }
.Ltmp0:
0x13: {  	[tilespmem:s25+$0x2C00] =	vst v1;
	(pc) =	sbr.rel @p0 .LBB2_2-.Ltmp0, $2  }
0x14: {  	_ =	sdelay $0x2  }
0x15: {  	s25 =	sshra.s32 s26, $0x2  }
0x16: {  	[tilespmem:s25+$0x6C00] =	vst v0  }
0x17: {  	[tilespmem:s25+$0x2C00] =	vst v1  }
0x18: {  	[spmem:s4] =	stream.linear.scatter [tilespmem:s11], [sflag:$0x1], $0x4000, $0x38;
	[tilespmem:$0xAC00] =	vst v63  }
0x19: {  	_ =	swait.ge [sflag:s12], $0x4000  }
0x1a: {  	[sflag:s12] =	ssyncset.done $0x0  }
0x1b: {  	[sflag:s12] =	ssyncadd.s32 $0xFFFFC000  }
0x1c: {  	[spmem:s6] =	stream.linear.scatter [tilespmem:s11], [sflag:$0x1], $0x4000, $0x38;
	[tilespmem:$0xAC00] =	vst v63  }
0x1d: {  	_ =	swait.ge [sflag:s12], $0x4000  }
0x1e: {  	[sflag:s12] =	ssyncset.done $0x0  }
0x1f: {  	[sflag:s12] =	ssyncadd.s32 $0xFFFFC000  }
0x20: {  	[spmem:s7] =	stream.linear.scatter [tilespmem:s11], [sflag:$0x1], $0x4000, $0x38;
	[tilespmem:$0xAC00] =	vst v63  }
0x21: {  	_ =	swait.ge [sflag:s12], $0x4000  }
0x22: {  	[sflag:s12] =	ssyncset.done $0x0  }
0x23: {  	[sflag:s12] =	ssyncadd.s32 $0xFFFFC000  }
0x24: {  	[spmem:s8] =	stream.linear.scatter [tilespmem:s11], [sflag:$0x1], $0x4000, $0x38;
	[tilespmem:$0xAC00] =	vst v63  }
0x25: {  	_ =	swait.ge [sflag:s12], $0x4000  }
0x26: {  	[sflag:s12] =	ssyncset.done $0x0  }
0x27: {  	[sflag:s12] =	ssyncadd.s32 $0xFFFFC000  }
0x28: {  	[spmem:s9] =	stream.linear.scatter [tilespmem:s11], [sflag:$0x1], $0x4000, $0x38;
	[tilespmem:$0xAC00] =	vst v63  }
0x29: {  	_ =	swait.ge [sflag:s12], $0x4000  }
0x2a: {  	[sflag:s12] =	ssyncset.done $0x0  }
0x2b: {  	[sflag:s12] =	ssyncadd.s32 $0xFFFFC000  }
0x2c: {  	s24 =	sadd.s32 $0x0, s10;
	[bflag:$0x0] =	sbarrier.arrive $0xFFFF  }
0x2d: {  	[tilespmem:s13], [sflag:$0x1] =	stream.linear.gather [hbm4b:s24+s3], $0x400, $0x38;
	[tilespmem:$0xAC00] =	vst v63  }
0x2e: {  	_ =	swait.ge [sflag:s12], $0x400  }
0x2f: {  	[sflag:s12] =	ssyncset.done $0x0  }
0x30: {  	[sflag:s12] =	ssyncadd.s32 $0xFFFFFC00  }
0x31: {  	[spmem:s2] =	stream.indirect.scatter.add.f32 [tilespmem:s16], [sflag:$0x1], $0x10, s15, s14, $0xb8;
	[tilespmem:$0xAC00] =	vst v63  }
0x32: {  	_ =	swait.ge [sflag:s12], $0x800  }
0x33: {  	[sflag:s12] =	ssyncset.done $0x0  }
0x34: {  	[sflag:s12] =	ssyncadd.s32 $0xFFFFF800  }
0x35: {  	[spmem:s2] =	stream.indirect.scatter.add.f32 [tilespmem:s16], [sflag:$0x1], $0x10, s17, s14, $0xb8;
	[tilespmem:$0xAC00] =	vst v63  }
0x36: {  	_ =	swait.ge [sflag:s12], $0x800  }
0x37: {  	[sflag:s12] =	ssyncset.done $0x0  }
0x38: {  	[sflag:s12] =	ssyncadd.s32 $0xFFFFF800  }
0x39: {  	[spmem:s2] =	stream.indirect.scatter.add.f32 [tilespmem:s16], [sflag:$0x1], $0x10, s18, s14, $0xb8;
	[tilespmem:$0xAC00] =	vst v63  }
0x3a: {  	_ =	swait.ge [sflag:s12], $0x800  }
0x3b: {  	[sflag:s12] =	ssyncset.done $0x0  }
0x3c: {  	[sflag:s12] =	ssyncadd.s32 $0xFFFFF800  }
0x3d: {  	[spmem:s2] =	stream.indirect.scatter.add.f32 [tilespmem:s16], [sflag:$0x1], $0x10, s19, s14, $0xb8;
	[tilespmem:$0xAC00] =	vst v63  }
0x3e: {  	_ =	swait.ge [sflag:s12], $0x800  }
0x3f: {  	s25 =	simm.s32 $0x100;
	s24 =	simm.s32 $0x80;
	[sflag:s12] =	ssyncset.done $0x0  }
.LBB2_4:
0x40: {  	s26 =	sadd.s32 s24, s10  }
0x41: {  	[sflag:s12] =	ssyncadd.s32 $0xFFFFF800;
	s24 =	smov.u32 s25;
	s28 =	sadd.s32 $0x80, s25  }
0x42: {  	[tilespmem:s13], [sflag:$0x1] =	stream.linear.gather [hbm4b:s26+s3], $0x400, $0x38;
	[tilespmem:$0xAC00] =	vst v63  }
0x43: {  	p0 =	sne.s32 s25, $0x980;
	_ =	swait.ge [sflag:s12], $0x400  }
0x44: {  	[sflag:s12] =	ssyncset.done $0x0  }
0x45: {  	[sflag:s12] =	ssyncadd.s32 $0xFFFFFC00  }
0x46: {  	[spmem:s2] =	stream.indirect.scatter.add.f32 [tilespmem:s16], [sflag:$0x1], $0x10, s15, s14, $0xb8;
	[tilespmem:$0xAC00] =	vst v63  }
0x47: {  	_ =	swait.ge [sflag:s12], $0x800  }
0x48: {  	[sflag:s12] =	ssyncset.done $0x0  }
0x49: {  	[sflag:s12] =	ssyncadd.s32 $0xFFFFF800  }
0x4a: {  	[spmem:s2] =	stream.indirect.scatter.add.f32 [tilespmem:s16], [sflag:$0x1], $0x10, s17, s14, $0xb8;
	[tilespmem:$0xAC00] =	vst v63  }
0x4b: {  	_ =	swait.ge [sflag:s12], $0x800  }
0x4c: {  	[sflag:s12] =	ssyncset.done $0x0  }
0x4d: {  	[sflag:s12] =	ssyncadd.s32 $0xFFFFF800  }
0x4e: {  	[spmem:s2] =	stream.indirect.scatter.add.f32 [tilespmem:s16], [sflag:$0x1], $0x10, s18, s14, $0xb8;
	[tilespmem:$0xAC00] =	vst v63  }
0x4f: {  	_ =	swait.ge [sflag:s12], $0x800  }
.Ltmp1:
0x50: {  	[sflag:s12] =	ssyncset.done $0x0;
	(pc) =	sbr.rel @p0 .LBB2_4-.Ltmp1, $4  }
0x51: {  	[sflag:s12] =	ssyncadd.s32 $0xFFFFF800  }
0x52: {  	[spmem:s2] =	stream.indirect.scatter.add.f32 [tilespmem:s16], [sflag:$0x1], $0x10, s19, s14, $0xb8;
	[tilespmem:$0xAC00] =	vst v63  }
0x53: {  	_ =	swait.ge [sflag:s12], $0x800  }
0x54: {  	s25 =	smov.u32 s28;
	[sflag:s12] =	ssyncset.done $0x0  }
0x55: {  	s24 =	sadd.s32 s24, s10;
	[sflag:s12] =	ssyncadd.s32 $0xFFFFF800  }
0x56: {  	[tilespmem:s13], [sflag:$0x1] =	stream.linear.gather [hbm4b:s24+s3], $0x400, $0x38;
	[tilespmem:$0xAC00] =	vst v63  }
0x57: {  	_ =	swait.ge [sflag:s12], $0x400  }
0x58: {  	[sflag:s12] =	ssyncset.done $0x0  }
0x59: {  	[sflag:s12] =	ssyncadd.s32 $0xFFFFFC00  }
0x5a: {  	[spmem:s2] =	stream.indirect.scatter.add.f32 [tilespmem:s16], [sflag:$0x1], $0x10, s15, s14, $0xb8;
	[tilespmem:$0xAC00] =	vst v63  }
0x5b: {  	_ =	swait.ge [sflag:s12], $0x800  }
0x5c: {  	[sflag:s12] =	ssyncset.done $0x0  }
0x5d: {  	[sflag:s12] =	ssyncadd.s32 $0xFFFFF800  }
0x5e: {  	[spmem:s2] =	stream.indirect.scatter.add.f32 [tilespmem:s16], [sflag:$0x1], $0x10, s17, s14, $0xb8;
	[tilespmem:$0xAC00] =	vst v63  }
0x5f: {  	_ =	swait.ge [sflag:s12], $0x800  }
0x60: {  	[sflag:s12] =	ssyncset.done $0x0  }
0x61: {  	[sflag:s12] =	ssyncadd.s32 $0xFFFFF800  }
0x62: {  	[spmem:s2] =	stream.indirect.scatter.add.f32 [tilespmem:s16], [sflag:$0x1], $0x10, s18, s14, $0xb8;
	[tilespmem:$0xAC00] =	vst v63  }
0x63: {  	_ =	swait.ge [sflag:s12], $0x800  }
0x64: {  	[sflag:s12] =	ssyncset.done $0x0  }
0x65: {  	[sflag:s12] =	ssyncadd.s32 $0xFFFFF800  }
0x66: {  	[spmem:s2] =	stream.indirect.scatter.add.f32 [tilespmem:s16], [sflag:$0x1], $0x10, s19, s14, $0xb8;
	[tilespmem:$0xAC00] =	vst v63  }
0x67: {  	_ =	swait.ge [sflag:s12], $0x800  }
0x68: {  	s23 =	sadd.s32 $0x1, s23;
	[sflag:s12] =	ssyncset.done $0x0  }
0x69: {  	p0 =	sne.s32 s23, s5;
	[sflag:s12] =	ssyncadd.s32 $0xFFFFF800  }
.Ltmp2:
0x6a: {  	[bflag:$0x0] =	sbarrier.arrive $0xFFFF;
	(pc) =	sbr.rel @p0 .LBB2_1-.Ltmp2, $4  }
0x6b: {  	[hbm:s20], [sflag:s21] =	dma.local [spmem:s22], $0x2800  }
0x6c: {  	_ =	swait.ge [sflag:s12], $0x2800  }
0x6d: {  	[sflag:s12] =	ssyncset.done $0x0  }
0x6e: {  	[sflag:s12] =	ssyncadd.s32 $0xFFFFD800  }
0x6f: {  	_ =	sfence.sel $0x180000  }
0x70: {  	[bflag:$0x0] =	sbarrier.arrive $0xFFFF  }
0x71: {  	p0 =	sne.s32 s0, $0x0;
	_ =	strace $0x90000047  }
0x72: {  	s0 =	sadd.s32 @!p0 $0x100000, s1;
	[bflag:$0x2] =	sbarrier.arrive $0xFFFF  }
0x73: {  	[sflag:s0] =	ssyncadd.tile.s32 @!p0 $0x1;
	_ =	shalt  }
.Lfunc_end2:
_tile_overlayer_lowered:
.L_overlay_start_2:
0x74: {  	(tag) =	ssettag $0x2  }
0x75: {  	s0 =	rddreg [dreg:$0x0];
	s2 =	stileid.u32  }
0x76: {  	s1 =	rddreg [dreg:$0x1];
	p0 =	sne.s32 s2, $0x0  }
0x77: {  	s3 =	rddreg [dreg:$0x2];
	[bflag:$0x3] =	sbarrier.arrive $0xFFFF;
	s2 =	simm.s32 @!p0 $0x1C01  }
0x78: {  	[timem:s3], [sflag:s2] =	dma.local @!p0 [hbm:s0], s1  }
0x79: {  	s0 =	simm.s32 @!p0 $0x1  }
0x7a: {  	_ =	swait.ge @!p0 [sflag:s0], s1  }
0x7b: {  	s1 =	ssub.s32 @!p0 $0x0, s1;
	[sflag:s0] =	ssyncset.done @!p0 $0x0  }
0x7c: {  	[sflag:s0] =	ssyncadd.s32 @!p0 s1  }
0x7d: {  	[bflag:$0x3] =	sbarrier.arrive $0xFFFF  }
0x7e: {  	_ =	shalt  }

// kernel: kernel.9.cloned.1.call-start
scs
__scs_entry_jumppad:
0x0: {  	(pc) =	sbr.rel $0x88, $3  }
0x1: {  	(tag) =	ssettag $0x0;
	lr =	simm.s32 $0x1  }
0x2: {  	[smem:$0x3F9D] =	sst lr;
	_ =	strace $0xD0000000  }
0x3: {  	_ = 	snop  }
0x4: {  	_ = 	snop  }
0x5: {  	_ = 	snop  }
0x6: {  	_ = 	snop  }
0x7: {  	_ = 	snop  }
__scs_overlays_trampoline_lowered:
0x8: {  	[smem:$0x3FAC] =	sst s0  }
0x9: {  	[smem:$0x3FAD] =	sst s1  }
0xa: {  	[smem:$0x3FAE] =	sst s2  }
0xb: {  	[smem:$0x3FAF] =	sst s3  }
0xc: {  	[smem:$0x3FB0] =	sst s4  }
0xd: {  	[smem:$0x3FB1] =	sst s5  }
0xe: {  	[smem:$0x3FB2] =	sst s6  }
0xf: {  	[smem:$0x3FB3] =	sst s7  }
0x10: {  	[smem:$0x3FB4] =	sst s8  }
0x11: {  	[smem:$0x3FB5] =	sst s9;
	s0 =	simm.s32 @!p0 $0x0  }
0x12: {  	s1 =	sld [smem:$0x3F9B];
	s0 =	simm.s32 @p0 $0x1  }
0x13: {  	[smem:$0x3FB6] =	sst s0;
	s0 =	simm.s32 @!p1 $0x0  }
0x14: {  	s2 =	sld [smem:$0x3F9A];
	s0 =	simm.s32 @p1 $0x1  }
0x15: {  	[smem:$0x3FB7] =	sst s0;
	s0 =	simm.s32 @!p2 $0x0  }
0x16: {  	s3 =	sld [smem:$0x3FDB];
	s0 =	simm.s32 @p2 $0x1  }
0x17: {  	s4 =	simm.s32 $0x1BF5;
	[smem:$0x3FB9] =	sst s0  }
0x18: {  	s0 =	sld [smem:$0x3F9C];
	_ =	swait.ge [sflag:s4], $0x0  }
0x19: {  	s7 =	sld [smem:$0x3F9D]  }
0x1a: {  	s8 =	sadd.s32 $0xFFFFE003, lr  }
0x1b: {  	s9 =	sadd.s32 $0xFFFFFEF7, lr;
	s5 =	simm.s32 $0xFFFFFFFF;
	p2 =	slt.u32 s8, $0xFFFFF086  }
0x1c: {  	p1 =	slt.u32 s9, $0xF7A;
	s5 =	simm.s32 @!p2 $0x0  }
0x1d: {  	s5 =	simm.s32 @p1 $0x1;
	p0 =	seq.s32 s7, s2  }
0x1e: {  	s7 =	smul.u32 @!p0 $0xF7A, s2;
	p2 =	seq.s32 @!p0 s5, $0x0  }
0x1f: {  	s9 =	smul.u32 $0xF7A, s1;
	s8 =	simm.s32 @!p0 $0x1BF5;
	p2 =	por !p2, p0  }
0x20: {  	[sflag:s8] =	ssyncset.s32 @!p0 $0xFFFFF086;
	s6 =	sadd.s32 @!p0 s3, s7;
	s7 =	simm.s32 @!p0 $0x108  }
0x21: {  	s3 =	sadd.s32 s3, s9;
	s6 =	sadd.s32 @!p0 $0x88, s6;
	s7 =	simm.s32 @p2 $0x1082  }
0x22: {  	[simem:s7], [sflag:s8] =	dma.local @!p0 [hbm:s6], $0xF7A  }
0x23: {  	s9 =	sor.u32 $0xD0000000, s2;
	s6 =	simm.s32 $0x108;
	_ =	swait.ge @!p0 [sflag:s8], $0x0  }
0x24: {  	s3 =	sadd.s32 $0x88, s3;
	s6 =	simm.s32 @!p1 $0x1082;
	[sflag:s4] =	ssyncset.s32 $0xFFFFF086  }
0x25: {  	[simem:s6], [sflag:s4] =	dma.local [hbm:s3], $0xF7A  }
0x26: {  	[smem:$0x3F9D] =	sst s1;
	(tag) =	ssettag s2;
	_ =	strace s9  }
0x27: {  	s1 =	sld [smem:$0x3FAD]  }
0x28: {  	s2 =	sld [smem:$0x3FAE]  }
0x29: {  	s4 =	sld [smem:$0x3FB0]  }
0x2a: {  	p0 =	seq.s32 s5, $0x0;
	s5 =	sld [smem:$0x3FB1]  }
0x2b: {  	s6 =	sld [smem:$0x3FB2]  }
0x2c: {  	s7 =	sld [smem:$0x3FB3]  }
0x2d: {  	s3 =	simm.s32 $0x108;
	s8 =	sld [smem:$0x3FB4]  }
0x2e: {  	s3 =	simm.s32 @!p0 $0x1082;
	s9 =	sld [smem:$0x3FB5]  }
0x2f: {  	lr =	sadd.s32 s0, s3;
	s0 =	sld [smem:$0x3FAC]  }
0x30: {  	s3 =	sld [smem:$0x3FAF]  }
0x31: {  	[smem:$0x3FB8] =	sst s10  }
0x32: {  	s10 =	sld [smem:$0x3FB6];
	_ =	sdelay $0x3  }
0x33: {  	p0 =	seq.s32 s10, $0x1;
	s10 =	sld [smem:$0x3FB8];
	_ =	sdelay $0x3  }
0x34: {  	[smem:$0x3FB8] =	sst s10  }
0x35: {  	s10 =	sld [smem:$0x3FB7];
	_ =	sdelay $0x3  }
0x36: {  	p1 =	seq.s32 s10, $0x1;
	s10 =	sld [smem:$0x3FB8];
	_ =	sdelay $0x3  }
0x37: {  	[smem:$0x3FB8] =	sst s10  }
0x38: {  	s10 =	sld [smem:$0x3FB9]  }
0x39: {  	_ = 	snop;
	(pc) =	sbr.ind lr, $3  }
0x3a: {  	_ = 	snop  }
0x3b: {  	_ = 	snop  }
0x3c: {  	p2 =	seq.s32 s10, $0x1;
	s10 =	sld [smem:$0x3FB8]  }
0x3d: {  	_ =	shalt  }
0x3e: {  	_ =	shalt  }
0x3f: {  	_ =	shalt  }
0x40: {  	_ =	shalt  }
0x41: {  	_ =	shalt  }
0x42: {  	_ =	shalt  }
0x43: {  	_ =	shalt  }
0x44: {  	_ =	shalt  }
0x45: {  	_ =	shalt  }
0x46: {  	_ =	shalt  }
0x47: {  	_ =	shalt  }
0x48: {  	_ =	shalt  }
0x49: {  	_ =	shalt  }
0x4a: {  	_ =	shalt  }
0x4b: {  	_ =	shalt  }
0x4c: {  	_ =	shalt  }
0x4d: {  	_ =	shalt  }
0x4e: {  	_ =	shalt  }
0x4f: {  	_ =	shalt  }
0x50: {  	_ =	shalt  }
0x51: {  	_ =	shalt  }
0x52: {  	_ =	shalt  }
0x53: {  	_ =	shalt  }
0x54: {  	_ =	shalt  }
0x55: {  	_ =	shalt  }
0x56: {  	_ =	shalt  }
0x57: {  	_ =	shalt  }
0x58: {  	_ =	shalt  }
0x59: {  	_ =	shalt  }
0x5a: {  	_ =	shalt  }
0x5b: {  	_ =	shalt  }
0x5c: {  	_ =	shalt  }
0x5d: {  	_ =	shalt  }
0x5e: {  	_ =	shalt  }
0x5f: {  	_ =	shalt  }
0x60: {  	_ =	shalt  }
0x61: {  	_ =	shalt  }
0x62: {  	_ =	shalt  }
0x63: {  	_ =	shalt  }
0x64: {  	_ =	shalt  }
0x65: {  	_ =	shalt  }
0x66: {  	_ =	shalt  }
0x67: {  	_ =	shalt  }
0x68: {  	_ =	shalt  }
0x69: {  	_ =	shalt  }
0x6a: {  	_ =	shalt  }
0x6b: {  	_ =	shalt  }
0x6c: {  	_ =	shalt  }
0x6d: {  	_ =	shalt  }
0x6e: {  	_ =	shalt  }
0x6f: {  	_ =	shalt  }
0x70: {  	_ =	shalt  }
0x71: {  	_ =	shalt  }
0x72: {  	_ =	shalt  }
0x73: {  	_ =	shalt  }
0x74: {  	_ =	shalt  }
0x75: {  	_ =	shalt  }
0x76: {  	_ =	shalt  }
0x77: {  	_ =	shalt  }
0x78: {  	_ =	shalt  }
0x79: {  	_ =	shalt  }
0x7a: {  	_ =	shalt  }
0x7b: {  	_ =	shalt  }
0x7c: {  	_ =	shalt  }
0x7d: {  	_ =	shalt  }
0x7e: {  	_ =	shalt  }
0x7f: {  	_ =	shalt  }
0x80: {  	_ =	shalt  }
0x81: {  	_ =	shalt  }
0x82: {  	_ =	shalt  }
0x83: {  	_ =	shalt  }
0x84: {  	_ =	shalt  }
0x85: {  	_ =	shalt  }
0x86: {  	_ =	shalt  }
0x87: {  	_ =	shalt  }
.Lfunc_end0:
.L_simem_size_0:
called_computation.1_lowered:
.L_overlay_start_0:
0x88: {  	s2 =	sld [smem:$0x3FD9]  }
0x89: {  	s3 =	sld [smem:$0x3FFE];
	_ =	sdelay $0x1  }
0x8a: {  	s1 =	srdreg.scid  }
0x8b: {  	s0 =	sand.u32 $0x1, s1  }
0x8c: {  	s17 =	sshll.u32 s0, $0xA;
	s2 =	sadd.s32 s3, s2  }
0x8d: {  	s2 =	sadd.s32 s2, s17  }
0x8e: {  	[smem:$0x3FC4] =	sst s2  }
0x8f: {  	_ = 	snop  }
0x90: {  	s2 =	sld [smem:$0x3FD0];
	(tm) =	ssettm $0x1  }
0x91: {  	s18 =	sld [smem:$0x3FFB];
	_ =	sdelay $0x3  }
0x92: {  	_ =	strace s18  }
0x93: {  	s3 =	sld [smem:$0x3FFC];
	_ =	sdelay $0x3  }
0x94: {  	_ =	strace s3  }
0x95: {  	s3 =	sld [smem:$0x3FFD];
	_ =	sdelay $0x3  }
0x96: {  	_ =	strace s3  }
0x97: {  	_ =	strace $0x8FFFFFFF  }
0x98: {  	s19 =	sld [smem:$0x3FDB];
	_ =	sdelay $0x1  }
0x99: {  	s4 =	simm.s32 $_scs_section_size  }
0x9a: {  	s5 =	simm.s32 $_size__tile_overlayer_lowered;
	s6 =	simm.s32 $_tile_overlayer_lowered  }
0x9b: {  	s22 =	simm.s32 $0x1BFF;
	s21 =	sshll.u32 s6, $0x1;
	s3 =	sadd.s32 s4, s19  }
0x9c: {  	s7 =	simm.s32 $0x0;
	s20 =	sshll.u32 s5, $0x1;
	s5 =	sadd.s32 s21, s3  }
0x9d: {  	[timem:s7], [sflag:s22] =	dma.local [hbm:s5], s20  }
0x9e: {  	_ =	swait.ge [sflag:s22], s20  }
0x9f: {  	s4 =	ssub.s32 $0x0, s20;
	[sflag:s22] =	ssyncset.done $0x0  }
0xa0: {  	[sflag:s22] =	ssyncadd.s32 s4;
	_ =	sdelay $0x1  }
0xa1: {  	s23 =	simm.s32 $0x1B8B  }
0xa2: {  	_ =	swait.ge [sflag:s23], $0x1  }
0xa3: {  	[sflag:s23] =	ssyncset.done $0x0  }
0xa4: {  	s25 =	simm.s32 $0x1B8E;
	s24 =	sld [smem:$0x3FFE];
	[sflag:s23] =	ssyncadd.s32 $0xFFFFFFFF  }
0xa5: {  	s26 =	simm.s32 $execute0_lowered;
	[smem:$0x3FD2] =	sst s25  }
0xa6: {  	s5 =	sshll.u32 s26, $0x1;
	_ =	strace $0x80000049;
	[dreg:$0x1] =	wrdreg $0xFFFFFFFF  }
0xa7: {  	s28 =	simm.s32 $_size_execute0_lowered;
	s3 =	sadd.s32 s3, s5;
	[dreg:$0x0] =	wrdreg $0x0  }
0xa8: {  	s5 =	sshll.u32 s28, $0x1;
	[dreg:$0x2] =	wrdreg s3  }
0xa9: {  	[dreg:$0x3] =	wrdreg s5  }
0xaa: {  	[dreg:$0x4] =	wrdreg $0xC0  }
0xab: {  	_ =	task [dreg:s7], $0x5FFFF  }
0xac: {  	[dreg:$0x1] =	wrdreg $0xFFFFFFFF  }
0xad: {  	[dreg:$0x0] =	wrdreg $0x60  }
0xae: {  	[dreg:$0x2] =	wrdreg s2  }
0xaf: {  	[dreg:$0x3] =	wrdreg s24  }
0xb0: {  	[dreg:$0x4] =	wrdreg $0x0  }
0xb1: {  	[dreg:$0x5] =	wrdreg $0x9  }
0xb2: {  	_ =	task.clear_ibuf [dreg:s7], $0x6FFFF;
	_ =	strace $0x90000049  }
0xb3: {  	s29 =	simm.s32 $0x9;
	_ =	strace $0x8000004B  }
0xb4: {  	_ =	swait.ge [sflag:s29], $0x1  }
0xb5: {  	[sflag:s29] =	ssyncadd.s32 $0xFFFFFFFF  }
0xb6: {  	_ =	strace $0x9000004B  }
0xb7: {  	_ =	sfence  }
0xb8: {  	s30 =	sld [smem:$0x0];
	_ =	sdelay $0x2  }
0xb9: {  	s31 =	sshll.u32 s1, $0xD;
	s1 =	sshrl.u32 s1, $0x2  }
0xba: {  	s3 =	sand.u32 $0x4000, s31;
	s1 =	sadd.s32 s1, s30  }
0xbb: {  	s0 =	sor.u32 s3, s0;
	s1 =	sshll.u32 s1, $0x11  }
0xbc: {  	s0 =	sor.u32 s1, s0  }
0xbd: {  	s0 =	sadd.s32 $0x8F2B, s0  }
0xbe: {  	[sflag:s0] =	ssyncadd.remote.s32 $0x1  }
0xbf: {  	_ =	sfence.sel $0xFFFF  }
0xc0: {  	[dreg:$0x0] =	wrdreg $0xFFFFFFFF;
	(pc) =	sbr.abs _section_cstart, $3  }
0xc1: {  	[dreg:$0x1] =	wrdreg $0xFFFFFFFF  }
0xc2: {  	_ =	task.clear_ibuf [dreg:s7], $0x2FFFF;
	_ =	strace $0x9FFFFFFF  }
0xc3: {  	(tm) =	ssettm $0x7FFFFFFF  }
tec
execute0_lowered:
.L_overlay_start_1:
0x0: {  	(tag) =	ssettag $0x1  }
0x1: {  	s0 =	rddreg [dreg:$0x0]  }
0x2: {  	s5 =	rddreg [dreg:$0x1];
	s1 =	srdreg.scid  }
0x3: {  	s3 =	rddreg [dreg:$0x2];
	s2 =	stileid.u32  }
0x4: {  	s4 =	simm.s32 $0x0;
	s12 =	simm.s32 $0x14400;
	s13 =	simm.s32 $0x1  }
0x5: {  	s14 =	simm.s32 $0x14000;
	s15 =	simm.s32 $0x80;
	s16 =	simm.s32 $0x14080  }
0x6: {  	s17 =	simm.s32 $0x14100;
	s18 =	simm.s32 $0x14180;
	s8 =	smul.u32 $0x5000, s2  }
0x7: {  	s19 =	simm.s32 $0x14200;
	s20 =	simm.s32 $0x14280;
	s30 =	smul.u32 $0x50000, s2  }
0x8: {  	s21 =	simm.s32 $0x14300;
	s6 =	sand.u32 $0x1, s1;
	s24 =	smul.u32 $0x2800, s2  }
0x9: {  	s22 =	simm.s32 $0x14380;
	s1 =	rddreg [dreg:$0x3];
	s7 =	smul.u32 $0x50000, s6  }
0xa: {  	[smem:$0x7FF] =	sst s4;
	s9 =	smul.u32 $0x28000, s6;
	s6 =	ssub.s32 $0x2, s6  }
0xb: {  	_ =	strace $0x8000004A;
	s31 =	sshrl.u32 s6, $0x1;
	s7 =	sadd.s32 s8, s7  }
0xc: {  	s8 =	sshrl.u32 s30, $0x2;
	s9 =	sadd.s32 s9, s5;
	s6 =	ssub.s32 s6, s31  }
0xd: {  	s7 =	sshrl.u32 s7, $0x3;
	s23 =	sadd.s32 $0x15400, s9;
	s6 =	smax.u32 s6, $0x1  }
0xe: {  	s11 =	sadd.s32 s7, s5;
	s5 =	sadd.s32 s8, s3;
	s23 =	sadd.s32 s24, s23  }
0xf: {  	s24 =	simm.s32 $0x0;
	s7 =	sadd.s32 $0x4000, s5;
	s8 =	sadd.s32 $0x8000, s5  }
0x10: {  	v0 =	vimm.f32 $0.0e+00;
	s9 =	sadd.s32 $0xC000, s5;
	s10 =	sadd.s32 $0x10000, s5;
	s11 =	sadd.s32 $0x1400, s11  }
.LBB2_1:
0x11: {  	s25 =	simm.s32 $0x0;
	s26 =	simm.s32 $0x200  }
.LBB2_2:
0x12: {  	p0 =	sne.s32 s26, $0xFE00;
	[tilespmem:s25+$0x14470] =	vst v0  }
0x13: {  	[tilespmem:s25+$0x14400] =	vst v0  }
0x14: {  	[tilespmem:s25+$0x14410] =	vst v0  }
.Ltmp0:
0x15: {  	[tilespmem:s25+$0x14420] =	vst v0;
	(pc) =	sbr.rel @p0 .LBB2_2-.Ltmp0, $4  }
0x16: {  	[tilespmem:s25+$0x14430] =	vst v0  }
0x17: {  	[tilespmem:s25+$0x14440] =	vst v0  }
0x18: {  	[tilespmem:s25+$0x14450] =	vst v0  }
0x19: {  	[tilespmem:s25+$0x14460] =	vst v0;
	s25 =	sshra.s32 s26, $0x2;
	s26 =	sadd.s32 $0x200, s26  }
0x1a: {  	[tilespmem:s25+$0x14470] =	vst v0  }
0x1b: {  	[tilespmem:s25+$0x14400] =	vst v0  }
0x1c: {  	[tilespmem:s25+$0x14410] =	vst v0  }
0x1d: {  	[tilespmem:s25+$0x14420] =	vst v0  }
0x1e: {  	[tilespmem:s25+$0x14430] =	vst v0  }
0x1f: {  	[tilespmem:s25+$0x14440] =	vst v0  }
0x20: {  	[tilespmem:s25+$0x14450] =	vst v0  }
0x21: {  	[tilespmem:s25+$0x14460] =	vst v0  }
0x22: {  	[spmem:s5] =	stream.linear.scatter [tilespmem:s12], [sflag:$0x1], $0x4000, $0x38;
	[tilespmem:$0x18400] =	vst v63  }
0x23: {  	_ =	swait.ge [sflag:s13], $0x4000  }
0x24: {  	[sflag:s13] =	ssyncset.done $0x0  }
0x25: {  	[sflag:s13] =	ssyncadd.s32 $0xFFFFC000  }
0x26: {  	[spmem:s7] =	stream.linear.scatter [tilespmem:s12], [sflag:$0x1], $0x4000, $0x38;
	[tilespmem:$0x18400] =	vst v63  }
0x27: {  	_ =	swait.ge [sflag:s13], $0x4000  }
0x28: {  	[sflag:s13] =	ssyncset.done $0x0  }
0x29: {  	[sflag:s13] =	ssyncadd.s32 $0xFFFFC000  }
0x2a: {  	[spmem:s8] =	stream.linear.scatter [tilespmem:s12], [sflag:$0x1], $0x4000, $0x38;
	[tilespmem:$0x18400] =	vst v63  }
0x2b: {  	_ =	swait.ge [sflag:s13], $0x4000  }
0x2c: {  	[sflag:s13] =	ssyncset.done $0x0  }
0x2d: {  	[sflag:s13] =	ssyncadd.s32 $0xFFFFC000  }
0x2e: {  	[spmem:s9] =	stream.linear.scatter [tilespmem:s12], [sflag:$0x1], $0x4000, $0x38;
	[tilespmem:$0x18400] =	vst v63  }
0x2f: {  	_ =	swait.ge [sflag:s13], $0x4000  }
0x30: {  	[sflag:s13] =	ssyncset.done $0x0  }
0x31: {  	[sflag:s13] =	ssyncadd.s32 $0xFFFFC000  }
0x32: {  	[spmem:s10] =	stream.linear.scatter [tilespmem:s12], [sflag:$0x1], $0x4000, $0x38;
	[tilespmem:$0x18400] =	vst v63  }
0x33: {  	_ =	swait.ge [sflag:s13], $0x4000  }
0x34: {  	[sflag:s13] =	ssyncset.done $0x0  }
0x35: {  	[sflag:s13] =	ssyncadd.s32 $0xFFFFC000  }
0x36: {  	s31 =	sadd.s32 $0x0, s11;
	[bflag:$0x0] =	sbarrier.arrive $0xFFFF  }
0x37: {  	[tilespmem:s14], [sflag:$0x1] =	stream.linear.gather [hbm4b:s31+s4], $0x400, $0x38;
	[tilespmem:$0x18400] =	vst v63  }
0x38: {  	_ =	swait.ge [sflag:s13], $0x400  }
0x39: {  	[sflag:s13] =	ssyncset.done $0x0  }
0x3a: {  	[sflag:s13] =	ssyncadd.s32 $0xFFFFFC00  }
0x3b: {  	[tilespmem:s12], [sflag:$0x1] =	stream.indirect.gather [hbm4b:s0+s15], $0x80, s14, s15, $0xb8;
	[tilespmem:$0x18400] =	vst v63  }
0x3c: {  	_ =	swait.ge [sflag:s13], $0x4000  }
0x3d: {  	[sflag:s13] =	ssyncset.done $0x0  }
0x3e: {  	[sflag:s13] =	ssyncadd.s32 $0xFFFFC000  }
0x3f: {  	[spmem:s3] =	stream.indirect.scatter.add.f32 [tilespmem:s12], [sflag:$0x1], $0x80, s16, s15, $0xb8;
	[tilespmem:$0x18400] =	vst v63  }
0x40: {  	_ =	swait.ge [sflag:s13], $0x4000  }
0x41: {  	[sflag:s13] =	ssyncset.done $0x0  }
0x42: {  	[sflag:s13] =	ssyncadd.s32 $0xFFFFC000  }
0x43: {  	[tilespmem:s12], [sflag:$0x1] =	stream.indirect.gather [hbm4b:s0+s15], $0x80, s17, s15, $0xb8;
	[tilespmem:$0x18400] =	vst v63  }
0x44: {  	_ =	swait.ge [sflag:s13], $0x4000  }
0x45: {  	[sflag:s13] =	ssyncset.done $0x0  }
0x46: {  	[sflag:s13] =	ssyncadd.s32 $0xFFFFC000  }
0x47: {  	[spmem:s3] =	stream.indirect.scatter.add.f32 [tilespmem:s12], [sflag:$0x1], $0x80, s18, s15, $0xb8;
	[tilespmem:$0x18400] =	vst v63  }
0x48: {  	_ =	swait.ge [sflag:s13], $0x4000  }
0x49: {  	[sflag:s13] =	ssyncset.done $0x0  }
0x4a: {  	[sflag:s13] =	ssyncadd.s32 $0xFFFFC000  }
0x4b: {  	[tilespmem:s12], [sflag:$0x1] =	stream.indirect.gather [hbm4b:s0+s15], $0x80, s19, s15, $0xb8;
	[tilespmem:$0x18400] =	vst v63  }
0x4c: {  	_ =	swait.ge [sflag:s13], $0x4000  }
0x4d: {  	[sflag:s13] =	ssyncset.done $0x0  }
0x4e: {  	[sflag:s13] =	ssyncadd.s32 $0xFFFFC000  }
0x4f: {  	[spmem:s3] =	stream.indirect.scatter.add.f32 [tilespmem:s12], [sflag:$0x1], $0x80, s20, s15, $0xb8;
	[tilespmem:$0x18400] =	vst v63  }
0x50: {  	_ =	swait.ge [sflag:s13], $0x4000  }
0x51: {  	[sflag:s13] =	ssyncset.done $0x0  }
0x52: {  	[sflag:s13] =	ssyncadd.s32 $0xFFFFC000  }
0x53: {  	[tilespmem:s12], [sflag:$0x1] =	stream.indirect.gather [hbm4b:s0+s15], $0x80, s21, s15, $0xb8;
	[tilespmem:$0x18400] =	vst v63  }
0x54: {  	_ =	swait.ge [sflag:s13], $0x4000  }
0x55: {  	[sflag:s13] =	ssyncset.done $0x0  }
0x56: {  	[sflag:s13] =	ssyncadd.s32 $0xFFFFC000  }
0x57: {  	[spmem:s3] =	stream.indirect.scatter.add.f32 [tilespmem:s12], [sflag:$0x1], $0x80, s22, s15, $0xb8;
	[tilespmem:$0x18400] =	vst v63  }
0x58: {  	_ =	swait.ge [sflag:s13], $0x4000  }
0x59: {  	s25 =	simm.s32 $0x80;
	s28 =	simm.s32 $0x100;
	[sflag:s13] =	ssyncset.done $0x0  }
.LBB2_4:
0x5a: {  	s29 =	sadd.s32 s25, s11  }
0x5b: {  	[sflag:s13] =	ssyncadd.s32 $0xFFFFC000;
	s25 =	smov.u32 s28;
	s26 =	sadd.s32 $0x80, s28  }
0x5c: {  	[tilespmem:s14], [sflag:$0x1] =	stream.linear.gather [hbm4b:s29+s4], $0x400, $0x38;
	[tilespmem:$0x18400] =	vst v63  }
0x5d: {  	p0 =	sne.s32 s28, $0x980;
	_ =	swait.ge [sflag:s13], $0x400  }
0x5e: {  	[sflag:s13] =	ssyncset.done $0x0  }
0x5f: {  	[sflag:s13] =	ssyncadd.s32 $0xFFFFFC00  }
0x60: {  	[tilespmem:s12], [sflag:$0x1] =	stream.indirect.gather [hbm4b:s0+s15], $0x80, s14, s15, $0xb8;
	[tilespmem:$0x18400] =	vst v63  }
0x61: {  	_ =	swait.ge [sflag:s13], $0x4000  }
0x62: {  	[sflag:s13] =	ssyncset.done $0x0  }
0x63: {  	[sflag:s13] =	ssyncadd.s32 $0xFFFFC000  }
0x64: {  	[spmem:s3] =	stream.indirect.scatter.add.f32 [tilespmem:s12], [sflag:$0x1], $0x80, s16, s15, $0xb8;
	[tilespmem:$0x18400] =	vst v63  }
0x65: {  	_ =	swait.ge [sflag:s13], $0x4000  }
0x66: {  	[sflag:s13] =	ssyncset.done $0x0  }
0x67: {  	[sflag:s13] =	ssyncadd.s32 $0xFFFFC000  }
0x68: {  	[tilespmem:s12], [sflag:$0x1] =	stream.indirect.gather [hbm4b:s0+s15], $0x80, s17, s15, $0xb8;
	[tilespmem:$0x18400] =	vst v63  }
0x69: {  	_ =	swait.ge [sflag:s13], $0x4000  }
0x6a: {  	[sflag:s13] =	ssyncset.done $0x0  }
0x6b: {  	[sflag:s13] =	ssyncadd.s32 $0xFFFFC000  }
0x6c: {  	[spmem:s3] =	stream.indirect.scatter.add.f32 [tilespmem:s12], [sflag:$0x1], $0x80, s18, s15, $0xb8;
	[tilespmem:$0x18400] =	vst v63  }
0x6d: {  	_ =	swait.ge [sflag:s13], $0x4000  }
0x6e: {  	[sflag:s13] =	ssyncset.done $0x0  }
0x6f: {  	[sflag:s13] =	ssyncadd.s32 $0xFFFFC000  }
0x70: {  	[tilespmem:s12], [sflag:$0x1] =	stream.indirect.gather [hbm4b:s0+s15], $0x80, s19, s15, $0xb8;
	[tilespmem:$0x18400] =	vst v63  }
0x71: {  	_ =	swait.ge [sflag:s13], $0x4000  }
0x72: {  	[sflag:s13] =	ssyncset.done $0x0  }
0x73: {  	[sflag:s13] =	ssyncadd.s32 $0xFFFFC000  }
0x74: {  	[spmem:s3] =	stream.indirect.scatter.add.f32 [tilespmem:s12], [sflag:$0x1], $0x80, s20, s15, $0xb8;
	[tilespmem:$0x18400] =	vst v63  }
0x75: {  	_ =	swait.ge [sflag:s13], $0x4000  }
0x76: {  	[sflag:s13] =	ssyncset.done $0x0  }
0x77: {  	[sflag:s13] =	ssyncadd.s32 $0xFFFFC000  }
0x78: {  	[tilespmem:s12], [sflag:$0x1] =	stream.indirect.gather [hbm4b:s0+s15], $0x80, s21, s15, $0xb8;
	[tilespmem:$0x18400] =	vst v63  }
0x79: {  	_ =	swait.ge [sflag:s13], $0x4000  }
.Ltmp1:
0x7a: {  	[sflag:s13] =	ssyncset.done $0x0;
	(pc) =	sbr.rel @p0 .LBB2_4-.Ltmp1, $4  }
0x7b: {  	[sflag:s13] =	ssyncadd.s32 $0xFFFFC000  }
0x7c: {  	[spmem:s3] =	stream.indirect.scatter.add.f32 [tilespmem:s12], [sflag:$0x1], $0x80, s22, s15, $0xb8;
	[tilespmem:$0x18400] =	vst v63  }
0x7d: {  	_ =	swait.ge [sflag:s13], $0x4000  }
0x7e: {  	s28 =	smov.u32 s26;
	[sflag:s13] =	ssyncset.done $0x0  }
0x7f: {  	s25 =	sadd.s32 s25, s11;
	[sflag:s13] =	ssyncadd.s32 $0xFFFFC000  }
0x80: {  	[tilespmem:s14], [sflag:$0x1] =	stream.linear.gather [hbm4b:s25+s4], $0x400, $0x38;
	[tilespmem:$0x18400] =	vst v63  }
0x81: {  	_ =	swait.ge [sflag:s13], $0x400  }
0x82: {  	[sflag:s13] =	ssyncset.done $0x0  }
0x83: {  	[sflag:s13] =	ssyncadd.s32 $0xFFFFFC00  }
0x84: {  	[tilespmem:s12], [sflag:$0x1] =	stream.indirect.gather [hbm4b:s0+s15], $0x80, s14, s15, $0xb8;
	[tilespmem:$0x18400] =	vst v63  }
0x85: {  	_ =	swait.ge [sflag:s13], $0x4000  }
0x86: {  	[sflag:s13] =	ssyncset.done $0x0  }
0x87: {  	[sflag:s13] =	ssyncadd.s32 $0xFFFFC000  }
0x88: {  	[spmem:s3] =	stream.indirect.scatter.add.f32 [tilespmem:s12], [sflag:$0x1], $0x80, s16, s15, $0xb8;
	[tilespmem:$0x18400] =	vst v63  }
0x89: {  	_ =	swait.ge [sflag:s13], $0x4000  }
0x8a: {  	[sflag:s13] =	ssyncset.done $0x0  }
0x8b: {  	[sflag:s13] =	ssyncadd.s32 $0xFFFFC000  }
0x8c: {  	[tilespmem:s12], [sflag:$0x1] =	stream.indirect.gather [hbm4b:s0+s15], $0x80, s17, s15, $0xb8;
	[tilespmem:$0x18400] =	vst v63  }
0x8d: {  	_ =	swait.ge [sflag:s13], $0x4000  }
0x8e: {  	[sflag:s13] =	ssyncset.done $0x0  }
0x8f: {  	[sflag:s13] =	ssyncadd.s32 $0xFFFFC000  }
0x90: {  	[spmem:s3] =	stream.indirect.scatter.add.f32 [tilespmem:s12], [sflag:$0x1], $0x80, s18, s15, $0xb8;
	[tilespmem:$0x18400] =	vst v63  }
0x91: {  	_ =	swait.ge [sflag:s13], $0x4000  }
0x92: {  	[sflag:s13] =	ssyncset.done $0x0  }
0x93: {  	[sflag:s13] =	ssyncadd.s32 $0xFFFFC000  }
0x94: {  	[tilespmem:s12], [sflag:$0x1] =	stream.indirect.gather [hbm4b:s0+s15], $0x80, s19, s15, $0xb8;
	[tilespmem:$0x18400] =	vst v63  }
0x95: {  	_ =	swait.ge [sflag:s13], $0x4000  }
0x96: {  	[sflag:s13] =	ssyncset.done $0x0  }
0x97: {  	[sflag:s13] =	ssyncadd.s32 $0xFFFFC000  }
0x98: {  	[spmem:s3] =	stream.indirect.scatter.add.f32 [tilespmem:s12], [sflag:$0x1], $0x80, s20, s15, $0xb8;
	[tilespmem:$0x18400] =	vst v63  }
0x99: {  	_ =	swait.ge [sflag:s13], $0x4000  }
0x9a: {  	[sflag:s13] =	ssyncset.done $0x0  }
0x9b: {  	[sflag:s13] =	ssyncadd.s32 $0xFFFFC000  }
0x9c: {  	[tilespmem:s12], [sflag:$0x1] =	stream.indirect.gather [hbm4b:s0+s15], $0x80, s21, s15, $0xb8;
	[tilespmem:$0x18400] =	vst v63  }
0x9d: {  	_ =	swait.ge [sflag:s13], $0x4000  }
0x9e: {  	[sflag:s13] =	ssyncset.done $0x0  }
0x9f: {  	[sflag:s13] =	ssyncadd.s32 $0xFFFFC000  }
0xa0: {  	[spmem:s3] =	stream.indirect.scatter.add.f32 [tilespmem:s12], [sflag:$0x1], $0x80, s22, s15, $0xb8;
	[tilespmem:$0x18400] =	vst v63  }
0xa1: {  	_ =	swait.ge [sflag:s13], $0x4000  }
0xa2: {  	s31 =	sshll.u32 s2, $0x6;
	s24 =	sadd.s32 $0x1, s24;
	[sflag:s13] =	ssyncset.done $0x0  }
0xa3: {  	s26 =	sshrl.u32 s5, $0x3;
	p0 =	sne.s32 s24, s6;
	[sflag:s13] =	ssyncadd.s32 $0xFFFFC000  }
.Ltmp2:
0xa4: {  	s25 =	sor.u32 $0x1C01, s31;
	[bflag:$0x0] =	sbarrier.arrive $0xFFFF;
	(pc) =	sbr.rel @p0 .LBB2_1-.Ltmp2, $4  }
0xa5: {  	[hbm:s23], [sflag:s25] =	dma.local [spmem:s26], $0x2800  }
0xa6: {  	_ =	swait.ge [sflag:s13], $0x2800  }
0xa7: {  	[sflag:s13] =	ssyncset.done $0x0  }
0xa8: {  	[sflag:s13] =	ssyncadd.s32 $0xFFFFD800  }
0xa9: {  	_ =	sfence.sel $0x180000  }
0xaa: {  	[bflag:$0x0] =	sbarrier.arrive $0xFFFF  }
0xab: {  	p0 =	sne.s32 s2, $0x0;
	_ =	strace $0x9000004A  }
0xac: {  	s0 =	sadd.s32 @!p0 $0x100000, s1;
	[bflag:$0x2] =	sbarrier.arrive $0xFFFF  }
0xad: {  	[sflag:s0] =	ssyncadd.tile.s32 @!p0 $0x1;
	_ =	shalt  }
.Lfunc_end2:
_tile_overlayer_lowered:
.L_overlay_start_2:
0xae: {  	(tag) =	ssettag $0x2  }
0xaf: {  	s0 =	rddreg [dreg:$0x0];
	s2 =	stileid.u32  }
0xb0: {  	s1 =	rddreg [dreg:$0x1];
	p0 =	sne.s32 s2, $0x0  }
0xb1: {  	s3 =	rddreg [dreg:$0x2];
	[bflag:$0x3] =	sbarrier.arrive $0xFFFF;
	s2 =	simm.s32 @!p0 $0x1C01  }
0xb2: {  	[timem:s3], [sflag:s2] =	dma.local @!p0 [hbm:s0], s1  }
0xb3: {  	s0 =	simm.s32 @!p0 $0x1  }
0xb4: {  	_ =	swait.ge @!p0 [sflag:s0], s1  }
0xb5: {  	s1 =	ssub.s32 @!p0 $0x0, s1;
	[sflag:s0] =	ssyncset.done @!p0 $0x0  }
0xb6: {  	[sflag:s0] =	ssyncadd.s32 @!p0 s1  }
0xb7: {  	[bflag:$0x3] =	sbarrier.arrive $0xFFFF  }
0xb8: {  	_ =	shalt  }

</sc_bundles>
